<compile_context>
chip_gen: v7x
topology: tpu7x:2x2x1
jax: 0.10.2.dev20260603
libtpu: 0.0.44.dev20260713+nightly
codegen_flags: <defaults>
</compile_context>

<pallas_src>
import jax
import jax.numpy as jnp
from jax import lax
from jax.experimental import pallas as pl
from jax.experimental.pallas import tpu as pltpu
from jax.experimental.pallas import tpu_sc as plsc

N_NODES = 10000
D_FEAT = 128
LANES = 16
NUM_CORES = 2
NUM_SUBCORES = 16
NUM_WORKERS = NUM_CORES * NUM_SUBCORES
CHUNK = 128
N_ACC = 10240
ROWS_PER_SUBCORE = N_ACC // NUM_SUBCORES


def _sc_aggregate(feat, src3, dst3, with_deg):
    ch = src3.shape[1]

    out_type = [jax.ShapeDtypeStruct((NUM_CORES, N_ACC, D_FEAT),
                                     jnp.float32)]
    if with_deg:
        out_type.append(
            jax.ShapeDtypeStruct((NUM_WORKERS, N_ACC), jnp.float32))

    scratch = [
        pltpu.VMEM_SHARED((N_ACC, D_FEAT), jnp.float32),
        pltpu.VMEM((ch, CHUNK), jnp.int32),
        pltpu.VMEM((ch, CHUNK), jnp.int32),
        pltpu.VMEM((CHUNK, D_FEAT), jnp.float32),
        pltpu.SemaphoreType.DMA,
    ]
    if with_deg:
        scratch.append(pltpu.VMEM((N_ACC,), jnp.float32))

    def body(feat_hbm, src_hbm, dst_hbm, *rest):
        if with_deg:
            acc_out, deg_out, acc_sh, src_v, dst_v, rows_v, sem, deg_v = rest
        else:
            acc_out, acc_sh, src_v, dst_v, rows_v, sem = rest

        cid = lax.axis_index("c")
        sid = lax.axis_index("s")
        wid = sid * NUM_CORES + cid

        zeros16 = jnp.zeros((LANES,), jnp.float32)

        def zbody(i, carry):
            for j in range(D_FEAT // LANES):
                rows_v[i, pl.ds(j * LANES, LANES)] = zeros16
            return carry

        lax.fori_loop(0, CHUNK, zbody, 0)

        if with_deg:
            def zdeg(i, carry):
                deg_v[pl.ds(i * LANES, LANES)] = zeros16
                return carry

            lax.fori_loop(0, N_ACC // LANES, zdeg, 0)

        base = sid * ROWS_PER_SUBCORE
        for t in range(ROWS_PER_SUBCORE // CHUNK):
            pltpu.sync_copy(rows_v, acc_sh.at[pl.ds(base + t * CHUNK, CHUNK)])

        pltpu.sync_copy(src_hbm.at[wid], src_v)
        pltpu.sync_copy(dst_hbm.at[wid], dst_v)

        plsc.subcore_barrier()

        def chunk_body(j, carry):
            half = CHUNK // 2
            g0 = pltpu.async_copy(
                feat_hbm.at[src_v.at[j, pl.ds(0, half)]],
                rows_v.at[pl.ds(0, half)], sem)
            g1 = pltpu.async_copy(
                feat_hbm.at[src_v.at[j, pl.ds(half, half)]],
                rows_v.at[pl.ds(half, half)], sem)
            if with_deg:
                for k in range(CHUNK // LANES):
                    d16 = dst_v[j, pl.ds(k * LANES, LANES)]
                    cnt, last = plsc.scan_count(d16)
                    plsc.addupdate_scatter(
                        deg_v, [d16], cnt.astype(jnp.float32), mask=last)
            g0.wait()
            g1.wait()
            pltpu.sync_copy(rows_v, acc_sh.at[dst_v.at[j]], add=True)
            return carry

        lax.fori_loop(0, ch, chunk_body, 0)

        plsc.subcore_barrier()

        pltpu.sync_copy(acc_sh.at[pl.ds(base, ROWS_PER_SUBCORE)],
                        acc_out.at[cid, pl.ds(base, ROWS_PER_SUBCORE)])
        if with_deg:
            pltpu.sync_copy(deg_v, deg_out.at[wid])

    mesh = plsc.VectorSubcoreMesh(core_axis_name="c", subcore_axis_name="s")
    fn = pl.kernel(body, out_type=out_type, mesh=mesh, scratch_types=scratch,
                   compiler_params=pltpu.CompilerParams(
                       needs_layout_passes=False))
    return fn(feat, src3, dst3)


def _tc_layer(xx, accp, degp, W_self, W_neigh, b, relu):
    R = 256
    grid = (pl.cdiv(N_NODES, R),)

    def body(x_ref, a_ref, d_ref, ws_ref, wn_ref, b_ref, o_ref):
        acc = a_ref[0] + a_ref[1]
        deg = jnp.sum(d_ref[...], axis=0)
        hn = acc / jnp.maximum(deg, 1.0)[:, None]
        out = (jnp.dot(x_ref[...], ws_ref[...],
                       preferred_element_type=jnp.float32)
               + jnp.dot(hn, wn_ref[...], preferred_element_type=jnp.float32)
               + b_ref[...])
        if relu:
            out = jnp.maximum(out, 0.0)
        o_ref[...] = out

    return pl.pallas_call(
        body,
        grid=grid,
        in_specs=[
            pl.BlockSpec((R, D_FEAT), lambda i: (i, 0)),
            pl.BlockSpec((NUM_CORES, R, D_FEAT), lambda i: (0, i, 0)),
            pl.BlockSpec((NUM_WORKERS, R), lambda i: (0, i)),
            pl.BlockSpec((D_FEAT, D_FEAT), lambda i: (0, 0)),
            pl.BlockSpec((D_FEAT, D_FEAT), lambda i: (0, 0)),
            pl.BlockSpec((1, D_FEAT), lambda i: (0, 0)),
        ],
        out_specs=pl.BlockSpec((R, D_FEAT), lambda i: (i, 0)),
        out_shape=jax.ShapeDtypeStruct((N_NODES, D_FEAT), jnp.float32),
    )(xx, accp, degp, W_self, W_neigh, b.reshape(1, D_FEAT))


def kernel(x, edge_index, W_self1, W_neigh1, b1, W1, bW1, W2, bW2,
           W_self2, W_neigh2, b2):
    e = edge_index.shape[1]
    src = edge_index[0].astype(jnp.int32)
    dst = edge_index[1].astype(jnp.int32)

    epw = NUM_WORKERS * CHUNK
    e_pad = ((e + epw - 1) // epw) * epw
    pad = e_pad - e
    src_p = jnp.concatenate([src, jnp.zeros((pad,), jnp.int32)])
    pad_dst = N_NODES + (jnp.arange(pad, dtype=jnp.int32)
                         % (N_ACC - N_NODES))
    dst_p = jnp.concatenate([dst, pad_dst])
    ch = e_pad // (NUM_WORKERS * CHUNK)
    src3 = src_p.reshape(NUM_WORKERS, ch, CHUNK)
    dst3 = dst_p.reshape(NUM_WORKERS, ch, CHUNK)

    acc1, deg = _sc_aggregate(x, src3, dst3, with_deg=True)
    h = _tc_layer(x, acc1, deg, W_self1, W_neigh1, b1, relu=True)
    (acc2,) = _sc_aggregate(h, src3, dst3, with_deg=False)
    h2 = _tc_layer(h, acc2, deg, W_self2, W_neigh2, b2, relu=False)
    return h2

# --- scband reference (transcript-rebuilt; emitter-appended) ---
"""Pipeline reference for scband-s3-enet-gnn-55009941127573 (READ-ONLY COPY).

The authoritative reference and input builder live on the scoring server;
editing this copy changes nothing except your own understanding.
"""

import jax, jax.numpy as jnp
import numpy as np

N = 10000
E = 320000
D = 128


def setup_inputs(seed: int = 0) -> dict:
    key = jax.random.key(seed)
    ks = jax.random.split(key, 16)
    x = jax.random.normal(ks[0], (N, D), dtype=jnp.float32)
    edge_index = jax.random.randint(ks[1], (2, E), 0, N, dtype=jnp.int32).astype(jnp.int64)
    s = 0.05
    # SAGEConv 1 (mean aggregator): fc_self, fc_neigh, bias
    W_self1 = jax.random.normal(ks[2], (D, D), dtype=jnp.float32) * s
    W_neigh1 = jax.random.normal(ks[3], (D, D), dtype=jnp.float32) * s
    b1 = jax.random.normal(ks[4], (D,), dtype=jnp.float32) * s
    # MLPPredictor: W1 (2D -> D), W2 (D -> 1)
    W1 = jax.random.normal(ks[5], (2 * D, D), dtype=jnp.float32) * s
    bW1 = jax.random.normal(ks[6], (D,), dtype=jnp.float32) * s
    W2 = jax.random.normal(ks[7], (D, 1), dtype=jnp.float32) * s
    bW2 = jax.random.normal(ks[8], (1,), dtype=jnp.float32) * s
    # SAGEConv 2
    W_self2 = jax.random.normal(ks[9], (D, D), dtype=jnp.float32) * s
    W_neigh2 = jax.random.normal(ks[10], (D, D), dtype=jnp.float32) * s
    b2 = jax.random.normal(ks[11], (D,), dtype=jnp.float32) * s
    return {
        "x": x, "edge_index": edge_index,
        "W_self1": W_self1, "W_neigh1": W_neigh1, "b1": b1,
        "W1": W1, "bW1": bW1, "W2": W2, "bW2": bW2,
        "W_self2": W_self2, "W_neigh2": W_neigh2, "b2": b2,
    }


def _sage_conv_mean(x, edge_index, W_self, W_neigh, b):
    # DGL SAGEConv with 'mean' aggregator:
    # h_neigh = mean over incoming edges of src features; out = x@W_self + h_neigh@W_neigh + b
    src = edge_index[0]
    dst = edge_index[1]
    msgs = jnp.take(x, src, axis=0)
    agg = jax.ops.segment_sum(msgs, dst, num_segments=N)
    deg = jax.ops.segment_sum(jnp.ones((E,), dtype=x.dtype), dst, num_segments=N)
    h_neigh = agg / jnp.clip(deg, 1.0, None)[:, None]
    return x @ W_self + h_neigh @ W_neigh + b


def reference(x, edge_index, W_self1, W_neigh1, b1, W1, bW1, W2, bW2, W_self2, W_neigh2, b2):
    h = _sage_conv_mean(x, edge_index, W_self1, W_neigh1, b1)
    h = jax.nn.relu(h)
    # MLPPredictor.apply_edges: per-edge score (computed inside g.local_scope(),
    # result not returned by the original forward -> side-effect-free dead value)
    src = edge_index[0]
    dst = edge_index[1]
    e = jnp.concatenate([jnp.take(h, src, axis=0), jnp.take(h, dst, axis=0)], axis=1)
    _score = (jax.nn.relu(e @ W1 + bW1) @ W2 + bW2).squeeze(1)
    h2 = _sage_conv_mean(h, edge_index, W_self2, W_neigh2, b2)
    return h2

if __name__ == "__main__":
    import jax
    _d = setup_inputs()
    print(jax.jit(kernel)(*tuple(_d.values())))

</pallas_src>

<mosaic_0001>
#map = affine_map<(d0, d1) -> (0, 0)>
#map1 = affine_map<(d0, d1) -> (0, 0, 0)>
module attributes {stable_mosaic.version = 14 : i64} {
  func.func @body(%arg0: i32, %arg1: i32, %arg2: memref<10000x128xf32, #tpu.memory_space<hbm>>, %arg3: memref<32x79x128xi32, #tpu.memory_space<hbm>>, %arg4: memref<32x79x128xi32, #tpu.memory_space<hbm>>, %arg5: memref<2x10240x128xf32, #tpu.memory_space<hbm>>, %arg6: memref<32x10240xf32, #tpu.memory_space<hbm>>, %arg7: memref<10240x128xf32, #tpu.memory_space<vmem_shared>>, %arg8: memref<79x128xi32, #tpu.memory_space<vmem>>, %arg9: memref<79x128xi32, #tpu.memory_space<vmem>>, %arg10: memref<128x128xf32, #tpu.memory_space<vmem>>, %arg11: memref<!tpu.dma_semaphore, #tpu.memory_space<semaphore_mem>>, %arg12: memref<10240xf32, #tpu.memory_space<vmem>>) attributes {dimension_semantics = [#tpu.dimension_semantics<core_parallel>, #tpu.dimension_semantics<subcore_parallel>], iteration_bounds = array<i64: 2, 16>, scalar_prefetch = 0 : i64, scratch_operands = 6 : i64, tpu.core_type = #tpu.core_type<sc_vector_subcore>, window_params = [{transform_indices = #map}, {transform_indices = #map1}, {transform_indices = #map1}, {transform_indices = #map1}, {transform_indices = #map}]} {
    %mul3A = arith.constant 2 : i32
    %mul3A_0 = arith.muli %arg1, %mul3A : i32
    %add3A = arith.addi %mul3A_0, %arg0 : i32
    %broadcast_in_dim3A = arith.constant 0.000000e+00 : f32
    %broadcast_in_dim3A_1 = vector.broadcast %broadcast_in_dim3A : f32 to vector<16xf32>
    %scan3A = arith.constant 0 : i32
    %scan3A_2 = arith.constant 0 : i32
    %scan3A_3 = arith.constant 128 : i32
    %scan3A_4 = arith.addi %scan3A_2, %scan3A_3 : i32
    %scan3A_5 = arith.constant 1 : i32
    scf.for %scan3A_32 = %scan3A_2 to %scan3A_4 step %scan3A_5  : i32 {
      %swap3A = arith.index_cast %scan3A_32 : i32 to index
      %swap3A_33 = arith.constant 0 : index
      %swap3A_34 = tpu.vector_load %arg10[%swap3A, %swap3A_33] {strides = array<i32>} : memref<128x128xf32, #tpu.memory_space<vmem>>, vector<16xf32>,
      tpu.vector_store %arg10[%swap3A, %swap3A_33], %broadcast_in_dim3A_1 {strides = array<i32>} : memref<128x128xf32, #tpu.memory_space<vmem>>, vector<16xf32>,
      %swap3A_35 = arith.index_cast %scan3A_32 : i32 to index
      %swap3A_36 = arith.constant 16 : index
      %swap3A_37 = tpu.vector_load %arg10[%swap3A_35, %swap3A_36] {strides = array<i32>} : memref<128x128xf32, #tpu.memory_space<vmem>>, vector<16xf32>,
      tpu.vector_store %arg10[%swap3A_35, %swap3A_36], %broadcast_in_dim3A_1 {strides = array<i32>} : memref<128x128xf32, #tpu.memory_space<vmem>>, vector<16xf32>,
      %swap3A_38 = arith.index_cast %scan3A_32 : i32 to index
      %swap3A_39 = arith.constant 32 : index
      %swap3A_40 = tpu.vector_load %arg10[%swap3A_38, %swap3A_39] {strides = array<i32>} : memref<128x128xf32, #tpu.memory_space<vmem>>, vector<16xf32>,
      tpu.vector_store %arg10[%swap3A_38, %swap3A_39], %broadcast_in_dim3A_1 {strides = array<i32>} : memref<128x128xf32, #tpu.memory_space<vmem>>, vector<16xf32>,
      %swap3A_41 = arith.index_cast %scan3A_32 : i32 to index
      %swap3A_42 = arith.constant 48 : index
      %swap3A_43 = tpu.vector_load %arg10[%swap3A_41, %swap3A_42] {strides = array<i32>} : memref<128x128xf32, #tpu.memory_space<vmem>>, vector<16xf32>,
      tpu.vector_store %arg10[%swap3A_41, %swap3A_42], %broadcast_in_dim3A_1 {strides = array<i32>} : memref<128x128xf32, #tpu.memory_space<vmem>>, vector<16xf32>,
      %swap3A_44 = arith.index_cast %scan3A_32 : i32 to index
      %swap3A_45 = arith.constant 64 : index
      %swap3A_46 = tpu.vector_load %arg10[%swap3A_44, %swap3A_45] {strides = array<i32>} : memref<128x128xf32, #tpu.memory_space<vmem>>, vector<16xf32>,
      tpu.vector_store %arg10[%swap3A_44, %swap3A_45], %broadcast_in_dim3A_1 {strides = array<i32>} : memref<128x128xf32, #tpu.memory_space<vmem>>, vector<16xf32>,
      %swap3A_47 = arith.index_cast %scan3A_32 : i32 to index
      %swap3A_48 = arith.constant 80 : index
      %swap3A_49 = tpu.vector_load %arg10[%swap3A_47, %swap3A_48] {strides = array<i32>} : memref<128x128xf32, #tpu.memory_space<vmem>>, vector<16xf32>,
      tpu.vector_store %arg10[%swap3A_47, %swap3A_48], %broadcast_in_dim3A_1 {strides = array<i32>} : memref<128x128xf32, #tpu.memory_space<vmem>>, vector<16xf32>,
      %swap3A_50 = arith.index_cast %scan3A_32 : i32 to index
      %swap3A_51 = arith.constant 96 : index
      %swap3A_52 = tpu.vector_load %arg10[%swap3A_50, %swap3A_51] {strides = array<i32>} : memref<128x128xf32, #tpu.memory_space<vmem>>, vector<16xf32>,
      tpu.vector_store %arg10[%swap3A_50, %swap3A_51], %broadcast_in_dim3A_1 {strides = array<i32>} : memref<128x128xf32, #tpu.memory_space<vmem>>, vector<16xf32>,
      %swap3A_53 = arith.index_cast %scan3A_32 : i32 to index
      %swap3A_54 = arith.constant 112 : index
      %swap3A_55 = tpu.vector_load %arg10[%swap3A_53, %swap3A_54] {strides = array<i32>} : memref<128x128xf32, #tpu.memory_space<vmem>>, vector<16xf32>,
      tpu.vector_store %arg10[%swap3A_53, %swap3A_54], %broadcast_in_dim3A_1 {strides = array<i32>} : memref<128x128xf32, #tpu.memory_space<vmem>>, vector<16xf32>,
    }
    %scan3A_6 = arith.constant 128 : i32
    %scan3A_7 = arith.constant 0 : i32
    %scan3A_8 = arith.constant 0 : i32
    %scan3A_9 = arith.constant 640 : i32
    %scan3A_10 = arith.addi %scan3A_8, %scan3A_9 : i32
    %scan3A_11 = arith.constant 1 : i32
    scf.for %scan3A_32 = %scan3A_8 to %scan3A_10 step %scan3A_11  : i32 {
      %mul3A_33 = arith.constant 16 : i32
      %mul3A_34 = arith.muli %scan3A_32, %mul3A_33 : i32
      %swap3A = arith.index_cast %mul3A_34 : i32 to index
      %swap3A_35 = tpu.vector_load %arg12[%swap3A] {strides = array<i32>} : memref<10240xf32, #tpu.memory_space<vmem>>, vector<16xf32>,
      tpu.vector_store %arg12[%swap3A], %broadcast_in_dim3A_1 {strides = array<i32>} : memref<10240xf32, #tpu.memory_space<vmem>>, vector<16xf32>,
    }
    %scan3A_12 = arith.constant 640 : i32
    %mul3A_13 = arith.constant 640 : i32
    %mul3A_14 = arith.muli %arg1, %mul3A_13 : i32
    %add3A_15 = arith.constant 0 : i32
    %add3A_16 = arith.addi %mul3A_14, %add3A_15 : i32
    "tpu.region"() ({
      %run_scoped3A = tpu.sem_alloc : memref<!tpu.dma_semaphore, #tpu.memory_space<semaphore_mem>>
      %dma_start3A = arith.constant 0 : i32
      %dma_start3A_32 = tpu.memref_slice %arg7[%add3A_16, %dma_start3A] : memref<10240x128xf32, #tpu.memory_space<vmem_shared>> -> memref<128x128xf32, #tpu.memory_space<vmem_shared>>
      %dma_start3A_33 = arith.constant 0 : i32
      %dma_start3A_34 = tpu.memref_slice %arg7[%add3A_16, %dma_start3A_33] : memref<10240x128xf32, #tpu.memory_space<vmem_shared>> -> memref<128x128xf32, #tpu.memory_space<vmem_shared>>
      tpu.enqueue_dma source(%arg10 : memref<128x128xf32, #tpu.memory_space<vmem>>) target(%dma_start3A_34 : memref<128x128xf32, #tpu.memory_space<vmem_shared>>) target_semaphore(%run_scoped3A : memref<!tpu.dma_semaphore, #tpu.memory_space<semaphore_mem>>)
      %dma_wait3A = arith.constant 0 : i32
      %dma_wait3A_35 = tpu.memref_slice %arg7[%add3A_16, %dma_wait3A] : memref<10240x128xf32, #tpu.memory_space<vmem_shared>> -> memref<128x128xf32, #tpu.memory_space<vmem_shared>>
      %dma_wait3A_36 = arith.constant 0 : i32
      %dma_wait3A_37 = tpu.memref_slice %arg7[%add3A_16, %dma_wait3A_36] : memref<10240x128xf32, #tpu.memory_space<vmem_shared>> -> memref<128x128xf32, #tpu.memory_space<vmem_shared>>
      tpu.wait_dma2 semaphore(%run_scoped3A : memref<!tpu.dma_semaphore, #tpu.memory_space<semaphore_mem>>) src(%arg10 : memref<128x128xf32, #tpu.memory_space<vmem>>) dst(%dma_wait3A_37 : memref<128x128xf32, #tpu.memory_space<vmem_shared>>)
      tpu.yield
    }) : () -> ()
    %add3A_17 = arith.constant 128 : i32
    %add3A_18 = arith.addi %mul3A_14, %add3A_17 : i32
    "tpu.region"() ({
      %run_scoped3A = tpu.sem_alloc : memref<!tpu.dma_semaphore, #tpu.memory_space<semaphore_mem>>
      %dma_start3A = arith.constant 0 : i32
      %dma_start3A_32 = tpu.memref_slice %arg7[%add3A_18, %dma_start3A] : memref<10240x128xf32, #tpu.memory_space<vmem_shared>> -> memref<128x128xf32, #tpu.memory_space<vmem_shared>>
      %dma_start3A_33 = arith.constant 0 : i32
      %dma_start3A_34 = tpu.memref_slice %arg7[%add3A_18, %dma_start3A_33] : memref<10240x128xf32, #tpu.memory_space<vmem_shared>> -> memref<128x128xf32, #tpu.memory_space<vmem_shared>>
      tpu.enqueue_dma source(%arg10 : memref<128x128xf32, #tpu.memory_space<vmem>>) target(%dma_start3A_34 : memref<128x128xf32, #tpu.memory_space<vmem_shared>>) target_semaphore(%run_scoped3A : memref<!tpu.dma_semaphore, #tpu.memory_space<semaphore_mem>>)
      %dma_wait3A = arith.constant 0 : i32
      %dma_wait3A_35 = tpu.memref_slice %arg7[%add3A_18, %dma_wait3A] : memref<10240x128xf32, #tpu.memory_space<vmem_shared>> -> memref<128x128xf32, #tpu.memory_space<vmem_shared>>
      %dma_wait3A_36 = arith.constant 0 : i32
      %dma_wait3A_37 = tpu.memref_slice %arg7[%add3A_18, %dma_wait3A_36] : memref<10240x128xf32, #tpu.memory_space<vmem_shared>> -> memref<128x128xf32, #tpu.memory_space<vmem_shared>>
      tpu.wait_dma2 semaphore(%run_scoped3A : memref<!tpu.dma_semaphore, #tpu.memory_space<semaphore_mem>>) src(%arg10 : memref<128x128xf32, #tpu.memory_space<vmem>>) dst(%dma_wait3A_37 : memref<128x128xf32, #tpu.memory_space<vmem_shared>>)
      tpu.yield
    }) : () -> ()
    %add3A_19 = arith.constant 256 : i32
    %add3A_20 = arith.addi %mul3A_14, %add3A_19 : i32
    "tpu.region"() ({
      %run_scoped3A = tpu.sem_alloc : memref<!tpu.dma_semaphore, #tpu.memory_space<semaphore_mem>>
      %dma_start3A = arith.constant 0 : i32
      %dma_start3A_32 = tpu.memref_slice %arg7[%add3A_20, %dma_start3A] : memref<10240x128xf32, #tpu.memory_space<vmem_shared>> -> memref<128x128xf32, #tpu.memory_space<vmem_shared>>
      %dma_start3A_33 = arith.constant 0 : i32
      %dma_start3A_34 = tpu.memref_slice %arg7[%add3A_20, %dma_start3A_33] : memref<10240x128xf32, #tpu.memory_space<vmem_shared>> -> memref<128x128xf32, #tpu.memory_space<vmem_shared>>
      tpu.enqueue_dma source(%arg10 : memref<128x128xf32, #tpu.memory_space<vmem>>) target(%dma_start3A_34 : memref<128x128xf32, #tpu.memory_space<vmem_shared>>) target_semaphore(%run_scoped3A : memref<!tpu.dma_semaphore, #tpu.memory_space<semaphore_mem>>)
      %dma_wait3A = arith.constant 0 : i32
      %dma_wait3A_35 = tpu.memref_slice %arg7[%add3A_20, %dma_wait3A] : memref<10240x128xf32, #tpu.memory_space<vmem_shared>> -> memref<128x128xf32, #tpu.memory_space<vmem_shared>>
      %dma_wait3A_36 = arith.constant 0 : i32
      %dma_wait3A_37 = tpu.memref_slice %arg7[%add3A_20, %dma_wait3A_36] : memref<10240x128xf32, #tpu.memory_space<vmem_shared>> -> memref<128x128xf32, #tpu.memory_space<vmem_shared>>
      tpu.wait_dma2 semaphore(%run_scoped3A : memref<!tpu.dma_semaphore, #tpu.memory_space<semaphore_mem>>) src(%arg10 : memref<128x128xf32, #tpu.memory_space<vmem>>) dst(%dma_wait3A_37 : memref<128x128xf32, #tpu.memory_space<vmem_shared>>)
      tpu.yield
    }) : () -> ()
    %add3A_21 = arith.constant 384 : i32
    %add3A_22 = arith.addi %mul3A_14, %add3A_21 : i32
    "tpu.region"() ({
      %run_scoped3A = tpu.sem_alloc : memref<!tpu.dma_semaphore, #tpu.memory_space<semaphore_mem>>
      %dma_start3A = arith.constant 0 : i32
      %dma_start3A_32 = tpu.memref_slice %arg7[%add3A_22, %dma_start3A] : memref<10240x128xf32, #tpu.memory_space<vmem_shared>> -> memref<128x128xf32, #tpu.memory_space<vmem_shared>>
      %dma_start3A_33 = arith.constant 0 : i32
      %dma_start3A_34 = tpu.memref_slice %arg7[%add3A_22, %dma_start3A_33] : memref<10240x128xf32, #tpu.memory_space<vmem_shared>> -> memref<128x128xf32, #tpu.memory_space<vmem_shared>>
      tpu.enqueue_dma source(%arg10 : memref<128x128xf32, #tpu.memory_space<vmem>>) target(%dma_start3A_34 : memref<128x128xf32, #tpu.memory_space<vmem_shared>>) target_semaphore(%run_scoped3A : memref<!tpu.dma_semaphore, #tpu.memory_space<semaphore_mem>>)
      %dma_wait3A = arith.constant 0 : i32
      %dma_wait3A_35 = tpu.memref_slice %arg7[%add3A_22, %dma_wait3A] : memref<10240x128xf32, #tpu.memory_space<vmem_shared>> -> memref<128x128xf32, #tpu.memory_space<vmem_shared>>
      %dma_wait3A_36 = arith.constant 0 : i32
      %dma_wait3A_37 = tpu.memref_slice %arg7[%add3A_22, %dma_wait3A_36] : memref<10240x128xf32, #tpu.memory_space<vmem_shared>> -> memref<128x128xf32, #tpu.memory_space<vmem_shared>>
      tpu.wait_dma2 semaphore(%run_scoped3A : memref<!tpu.dma_semaphore, #tpu.memory_space<semaphore_mem>>) src(%arg10 : memref<128x128xf32, #tpu.memory_space<vmem>>) dst(%dma_wait3A_37 : memref<128x128xf32, #tpu.memory_space<vmem_shared>>)
      tpu.yield
    }) : () -> ()
    %add3A_23 = arith.constant 512 : i32
    %add3A_24 = arith.addi %mul3A_14, %add3A_23 : i32
    "tpu.region"() ({
      %run_scoped3A = tpu.sem_alloc : memref<!tpu.dma_semaphore, #tpu.memory_space<semaphore_mem>>
      %dma_start3A = arith.constant 0 : i32
      %dma_start3A_32 = tpu.memref_slice %arg7[%add3A_24, %dma_start3A] : memref<10240x128xf32, #tpu.memory_space<vmem_shared>> -> memref<128x128xf32, #tpu.memory_space<vmem_shared>>
      %dma_start3A_33 = arith.constant 0 : i32
      %dma_start3A_34 = tpu.memref_slice %arg7[%add3A_24, %dma_start3A_33] : memref<10240x128xf32, #tpu.memory_space<vmem_shared>> -> memref<128x128xf32, #tpu.memory_space<vmem_shared>>
      tpu.enqueue_dma source(%arg10 : memref<128x128xf32, #tpu.memory_space<vmem>>) target(%dma_start3A_34 : memref<128x128xf32, #tpu.memory_space<vmem_shared>>) target_semaphore(%run_scoped3A : memref<!tpu.dma_semaphore, #tpu.memory_space<semaphore_mem>>)
      %dma_wait3A = arith.constant 0 : i32
      %dma_wait3A_35 = tpu.memref_slice %arg7[%add3A_24, %dma_wait3A] : memref<10240x128xf32, #tpu.memory_space<vmem_shared>> -> memref<128x128xf32, #tpu.memory_space<vmem_shared>>
      %dma_wait3A_36 = arith.constant 0 : i32
      %dma_wait3A_37 = tpu.memref_slice %arg7[%add3A_24, %dma_wait3A_36] : memref<10240x128xf32, #tpu.memory_space<vmem_shared>> -> memref<128x128xf32, #tpu.memory_space<vmem_shared>>
      tpu.wait_dma2 semaphore(%run_scoped3A : memref<!tpu.dma_semaphore, #tpu.memory_space<semaphore_mem>>) src(%arg10 : memref<128x128xf32, #tpu.memory_space<vmem>>) dst(%dma_wait3A_37 : memref<128x128xf32, #tpu.memory_space<vmem_shared>>)
      tpu.yield
    }) : () -> ()
    "tpu.region"() ({
      %run_scoped3A = tpu.sem_alloc : memref<!tpu.dma_semaphore, #tpu.memory_space<semaphore_mem>>
      %dma_start3A = arith.constant 0 : i32
      %dma_start3A_32 = arith.constant 0 : i32
      %dma_start3A_33 = tpu.memref_slice %arg3[%add3A, %dma_start3A, %dma_start3A_32] : memref<32x79x128xi32, #tpu.memory_space<hbm>> -> memref<1x79x128xi32, #tpu.memory_space<hbm>>
      %dma_start3A_34 = tpu.memref_squeeze %dma_start3A_33 : memref<1x79x128xi32, #tpu.memory_space<hbm>> -> memref<79x128xi32, #tpu.memory_space<hbm>>
      %dma_start3A_35 = arith.constant 0 : i32
      %dma_start3A_36 = arith.constant 0 : i32
      %dma_start3A_37 = tpu.memref_slice %arg3[%add3A, %dma_start3A_35, %dma_start3A_36] : memref<32x79x128xi32, #tpu.memory_space<hbm>> -> memref<1x79x128xi32, #tpu.memory_space<hbm>>
      %dma_start3A_38 = tpu.memref_squeeze %dma_start3A_37 : memref<1x79x128xi32, #tpu.memory_space<hbm>> -> memref<79x128xi32, #tpu.memory_space<hbm>>
      tpu.enqueue_dma source(%dma_start3A_38 : memref<79x128xi32, #tpu.memory_space<hbm>>) target(%arg8 : memref<79x128xi32, #tpu.memory_space<vmem>>) target_semaphore(%run_scoped3A : memref<!tpu.dma_semaphore, #tpu.memory_space<semaphore_mem>>)
      %dma_wait3A = arith.constant 0 : i32
      %dma_wait3A_39 = arith.constant 0 : i32
      %dma_wait3A_40 = tpu.memref_slice %arg3[%add3A, %dma_wait3A, %dma_wait3A_39] : memref<32x79x128xi32, #tpu.memory_space<hbm>> -> memref<1x79x128xi32, #tpu.memory_space<hbm>>
      %dma_wait3A_41 = tpu.memref_squeeze %dma_wait3A_40 : memref<1x79x128xi32, #tpu.memory_space<hbm>> -> memref<79x128xi32, #tpu.memory_space<hbm>>
      %dma_wait3A_42 = arith.constant 0 : i32
      %dma_wait3A_43 = arith.constant 0 : i32
      %dma_wait3A_44 = tpu.memref_slice %arg3[%add3A, %dma_wait3A_42, %dma_wait3A_43] : memref<32x79x128xi32, #tpu.memory_space<hbm>> -> memref<1x79x128xi32, #tpu.memory_space<hbm>>
      %dma_wait3A_45 = tpu.memref_squeeze %dma_wait3A_44 : memref<1x79x128xi32, #tpu.memory_space<hbm>> -> memref<79x128xi32, #tpu.memory_space<hbm>>
      tpu.wait_dma2 semaphore(%run_scoped3A : memref<!tpu.dma_semaphore, #tpu.memory_space<semaphore_mem>>) src(%dma_wait3A_45 : memref<79x128xi32, #tpu.memory_space<hbm>>) dst(%arg8 : memref<79x128xi32, #tpu.memory_space<vmem>>)
      tpu.yield
    }) : () -> ()
    "tpu.region"() ({
      %run_scoped3A = tpu.sem_alloc : memref<!tpu.dma_semaphore, #tpu.memory_space<semaphore_mem>>
      %dma_start3A = arith.constant 0 : i32
      %dma_start3A_32 = arith.constant 0 : i32
      %dma_start3A_33 = tpu.memref_slice %arg4[%add3A, %dma_start3A, %dma_start3A_32] : memref<32x79x128xi32, #tpu.memory_space<hbm>> -> memref<1x79x128xi32, #tpu.memory_space<hbm>>
      %dma_start3A_34 = tpu.memref_squeeze %dma_start3A_33 : memref<1x79x128xi32, #tpu.memory_space<hbm>> -> memref<79x128xi32, #tpu.memory_space<hbm>>
      %dma_start3A_35 = arith.constant 0 : i32
      %dma_start3A_36 = arith.constant 0 : i32
      %dma_start3A_37 = tpu.memref_slice %arg4[%add3A, %dma_start3A_35, %dma_start3A_36] : memref<32x79x128xi32, #tpu.memory_space<hbm>> -> memref<1x79x128xi32, #tpu.memory_space<hbm>>
      %dma_start3A_38 = tpu.memref_squeeze %dma_start3A_37 : memref<1x79x128xi32, #tpu.memory_space<hbm>> -> memref<79x128xi32, #tpu.memory_space<hbm>>
      tpu.enqueue_dma source(%dma_start3A_38 : memref<79x128xi32, #tpu.memory_space<hbm>>) target(%arg9 : memref<79x128xi32, #tpu.memory_space<vmem>>) target_semaphore(%run_scoped3A : memref<!tpu.dma_semaphore, #tpu.memory_space<semaphore_mem>>)
      %dma_wait3A = arith.constant 0 : i32
      %dma_wait3A_39 = arith.constant 0 : i32
      %dma_wait3A_40 = tpu.memref_slice %arg4[%add3A, %dma_wait3A, %dma_wait3A_39] : memref<32x79x128xi32, #tpu.memory_space<hbm>> -> memref<1x79x128xi32, #tpu.memory_space<hbm>>
      %dma_wait3A_41 = tpu.memref_squeeze %dma_wait3A_40 : memref<1x79x128xi32, #tpu.memory_space<hbm>> -> memref<79x128xi32, #tpu.memory_space<hbm>>
      %dma_wait3A_42 = arith.constant 0 : i32
      %dma_wait3A_43 = arith.constant 0 : i32
      %dma_wait3A_44 = tpu.memref_slice %arg4[%add3A, %dma_wait3A_42, %dma_wait3A_43] : memref<32x79x128xi32, #tpu.memory_space<hbm>> -> memref<1x79x128xi32, #tpu.memory_space<hbm>>
      %dma_wait3A_45 = tpu.memref_squeeze %dma_wait3A_44 : memref<1x79x128xi32, #tpu.memory_space<hbm>> -> memref<79x128xi32, #tpu.memory_space<hbm>>
      tpu.wait_dma2 semaphore(%run_scoped3A : memref<!tpu.dma_semaphore, #tpu.memory_space<semaphore_mem>>) src(%dma_wait3A_45 : memref<79x128xi32, #tpu.memory_space<hbm>>) dst(%arg9 : memref<79x128xi32, #tpu.memory_space<vmem>>)
      tpu.yield
    }) : () -> ()
    %barrier3A = arith.constant 0 : index
    tpu.barrier barrier_id(%barrier3A)
    %scan3A_25 = arith.constant 0 : i32
    %scan3A_26 = arith.constant 0 : i32
    %scan3A_27 = arith.constant 79 : i32
    %scan3A_28 = arith.addi %scan3A_26, %scan3A_27 : i32
    %scan3A_29 = arith.constant 1 : i32
    scf.for %scan3A_32 = %scan3A_26 to %scan3A_28 step %scan3A_29  : i32 {
      %dma_start3A = arith.constant 0 : i32
      %dma_start3A_33 = arith.constant 0 : i32
      %dma_start3A_34 = tpu.memref_slice %arg10[%dma_start3A, %dma_start3A_33] : memref<128x128xf32, #tpu.memory_space<vmem>> -> memref<64x128xf32, #tpu.memory_space<vmem>>
      %dma_start3A_35 = arith.constant 0 : i32
      %dma_start3A_36 = tpu.memref_slice %arg8[%scan3A_32, %dma_start3A_35] : memref<79x128xi32, #tpu.memory_space<vmem>> -> memref<1x64xi32, #tpu.memory_space<vmem>>
      %dma_start3A_37 = tpu.memref_squeeze %dma_start3A_36 : memref<1x64xi32, #tpu.memory_space<vmem>> -> memref<64xi32, #tpu.memory_space<vmem>>
      %dma_start3A_38 = arith.constant 0 : i32
      %dma_start3A_39 = arith.constant 0 : i32
      %dma_start3A_40 = tpu.memref_slice %arg2[%dma_start3A_38, %dma_start3A_39] : memref<10000x128xf32, #tpu.memory_space<hbm>> -> memref<10000x128xf32, #tpu.memory_space<hbm>>
      tpu.enqueue_indirect_dma source(%dma_start3A_40 : memref<10000x128xf32, #tpu.memory_space<hbm>>) target(%dma_start3A_34 : memref<64x128xf32, #tpu.memory_space<vmem>>) offsets(%dma_start3A_37 : memref<64xi32, #tpu.memory_space<vmem>>) semaphore(%arg11 : memref<!tpu.dma_semaphore, #tpu.memory_space<semaphore_mem>>)
      %dma_start3A_41 = arith.constant 64 : i32
      %dma_start3A_42 = arith.constant 0 : i32
      %dma_start3A_43 = tpu.memref_slice %arg10[%dma_start3A_41, %dma_start3A_42] : memref<128x128xf32, #tpu.memory_space<vmem>> -> memref<64x128xf32, #tpu.memory_space<vmem>>
      %dma_start3A_44 = arith.constant 64 : i32
      %dma_start3A_45 = tpu.memref_slice %arg8[%scan3A_32, %dma_start3A_44] : memref<79x128xi32, #tpu.memory_space<vmem>> -> memref<1x64xi32, #tpu.memory_space<vmem>>
      %dma_start3A_46 = tpu.memref_squeeze %dma_start3A_45 : memref<1x64xi32, #tpu.memory_space<vmem>> -> memref<64xi32, #tpu.memory_space<vmem>>
      %dma_start3A_47 = arith.constant 0 : i32
      %dma_start3A_48 = arith.constant 0 : i32
      %dma_start3A_49 = tpu.memref_slice %arg2[%dma_start3A_47, %dma_start3A_48] : memref<10000x128xf32, #tpu.memory_space<hbm>> -> memref<10000x128xf32, #tpu.memory_space<hbm>>
      tpu.enqueue_indirect_dma source(%dma_start3A_49 : memref<10000x128xf32, #tpu.memory_space<hbm>>) target(%dma_start3A_43 : memref<64x128xf32, #tpu.memory_space<vmem>>) offsets(%dma_start3A_46 : memref<64xi32, #tpu.memory_space<vmem>>) semaphore(%arg11 : memref<!tpu.dma_semaphore, #tpu.memory_space<semaphore_mem>>)
      %get3A = arith.index_cast %scan3A_32 : i32 to index
      %get3A_50 = arith.constant 0 : index
      %get3A_51 = tpu.vector_load %arg9[%get3A, %get3A_50] {strides = array<i32>} : memref<79x128xi32, #tpu.memory_space<vmem>>, vector<16xi32>,
      %broadcast_in_dim3A_52 = arith.constant true
      %broadcast_in_dim3A_53 = vector.broadcast %broadcast_in_dim3A_52 : i1 to vector<16xi1>
      %unique3A, %unique3A_54 = tpu.scan_count mask(%broadcast_in_dim3A_53 : vector<16xi1>) value(%get3A_51 : vector<16xi32>) : vector<16xi1>, vector<16xi32>
      %convert_element_type3A = arith.sitofp %unique3A_54 : vector<16xi32> to vector<16xf32>
      tpu.vector_store_idx %arg12[%get3A_51], %convert_element_type3A masked %unique3A {add = true} : memref<10240xf32, #tpu.memory_space<vmem>>[vector<16xi32>], vector<16xf32>, vector<16xi1>
      %get3A_55 = arith.index_cast %scan3A_32 : i32 to index
      %get3A_56 = arith.constant 16 : index
      %get3A_57 = tpu.vector_load %arg9[%get3A_55, %get3A_56] {strides = array<i32>} : memref<79x128xi32, #tpu.memory_space<vmem>>, vector<16xi32>,
      %broadcast_in_dim3A_58 = arith.constant true
      %broadcast_in_dim3A_59 = vector.broadcast %broadcast_in_dim3A_58 : i1 to vector<16xi1>
      %unique3A_60, %unique3A_61 = tpu.scan_count mask(%broadcast_in_dim3A_59 : vector<16xi1>) value(%get3A_57 : vector<16xi32>) : vector<16xi1>, vector<16xi32>
      %convert_element_type3A_62 = arith.sitofp %unique3A_61 : vector<16xi32> to vector<16xf32>
      tpu.vector_store_idx %arg12[%get3A_57], %convert_element_type3A_62 masked %unique3A_60 {add = true} : memref<10240xf32, #tpu.memory_space<vmem>>[vector<16xi32>], vector<16xf32>, vector<16xi1>
      %get3A_63 = arith.index_cast %scan3A_32 : i32 to index
      %get3A_64 = arith.constant 32 : index
      %get3A_65 = tpu.vector_load %arg9[%get3A_63, %get3A_64] {strides = array<i32>} : memref<79x128xi32, #tpu.memory_space<vmem>>, vector<16xi32>,
      %broadcast_in_dim3A_66 = arith.constant true
      %broadcast_in_dim3A_67 = vector.broadcast %broadcast_in_dim3A_66 : i1 to vector<16xi1>
      %unique3A_68, %unique3A_69 = tpu.scan_count mask(%broadcast_in_dim3A_67 : vector<16xi1>) value(%get3A_65 : vector<16xi32>) : vector<16xi1>, vector<16xi32>
      %convert_element_type3A_70 = arith.sitofp %unique3A_69 : vector<16xi32> to vector<16xf32>
      tpu.vector_store_idx %arg12[%get3A_65], %convert_element_type3A_70 masked %unique3A_68 {add = true} : memref<10240xf32, #tpu.memory_space<vmem>>[vector<16xi32>], vector<16xf32>, vector<16xi1>
      %get3A_71 = arith.index_cast %scan3A_32 : i32 to index
      %get3A_72 = arith.constant 48 : index
      %get3A_73 = tpu.vector_load %arg9[%get3A_71, %get3A_72] {strides = array<i32>} : memref<79x128xi32, #tpu.memory_space<vmem>>, vector<16xi32>,
      %broadcast_in_dim3A_74 = arith.constant true
      %broadcast_in_dim3A_75 = vector.broadcast %broadcast_in_dim3A_74 : i1 to vector<16xi1>
      %unique3A_76, %unique3A_77 = tpu.scan_count mask(%broadcast_in_dim3A_75 : vector<16xi1>) value(%get3A_73 : vector<16xi32>) : vector<16xi1>, vector<16xi32>
      %convert_element_type3A_78 = arith.sitofp %unique3A_77 : vector<16xi32> to vector<16xf32>
      tpu.vector_store_idx %arg12[%get3A_73], %convert_element_type3A_78 masked %unique3A_76 {add = true} : memref<10240xf32, #tpu.memory_space<vmem>>[vector<16xi32>], vector<16xf32>, vector<16xi1>
      %get3A_79 = arith.index_cast %scan3A_32 : i32 to index
      %get3A_80 = arith.constant 64 : index
      %get3A_81 = tpu.vector_load %arg9[%get3A_79, %get3A_80] {strides = array<i32>} : memref<79x128xi32, #tpu.memory_space<vmem>>, vector<16xi32>,
      %broadcast_in_dim3A_82 = arith.constant true
      %broadcast_in_dim3A_83 = vector.broadcast %broadcast_in_dim3A_82 : i1 to vector<16xi1>
      %unique3A_84, %unique3A_85 = tpu.scan_count mask(%broadcast_in_dim3A_83 : vector<16xi1>) value(%get3A_81 : vector<16xi32>) : vector<16xi1>, vector<16xi32>
      %convert_element_type3A_86 = arith.sitofp %unique3A_85 : vector<16xi32> to vector<16xf32>
      tpu.vector_store_idx %arg12[%get3A_81], %convert_element_type3A_86 masked %unique3A_84 {add = true} : memref<10240xf32, #tpu.memory_space<vmem>>[vector<16xi32>], vector<16xf32>, vector<16xi1>
      %get3A_87 = arith.index_cast %scan3A_32 : i32 to index
      %get3A_88 = arith.constant 80 : index
      %get3A_89 = tpu.vector_load %arg9[%get3A_87, %get3A_88] {strides = array<i32>} : memref<79x128xi32, #tpu.memory_space<vmem>>, vector<16xi32>,
      %broadcast_in_dim3A_90 = arith.constant true
      %broadcast_in_dim3A_91 = vector.broadcast %broadcast_in_dim3A_90 : i1 to vector<16xi1>
      %unique3A_92, %unique3A_93 = tpu.scan_count mask(%broadcast_in_dim3A_91 : vector<16xi1>) value(%get3A_89 : vector<16xi32>) : vector<16xi1>, vector<16xi32>
      %convert_element_type3A_94 = arith.sitofp %unique3A_93 : vector<16xi32> to vector<16xf32>
      tpu.vector_store_idx %arg12[%get3A_89], %convert_element_type3A_94 masked %unique3A_92 {add = true} : memref<10240xf32, #tpu.memory_space<vmem>>[vector<16xi32>], vector<16xf32>, vector<16xi1>
      %get3A_95 = arith.index_cast %scan3A_32 : i32 to index
      %get3A_96 = arith.constant 96 : index
      %get3A_97 = tpu.vector_load %arg9[%get3A_95, %get3A_96] {strides = array<i32>} : memref<79x128xi32, #tpu.memory_space<vmem>>, vector<16xi32>,
      %broadcast_in_dim3A_98 = arith.constant true
      %broadcast_in_dim3A_99 = vector.broadcast %broadcast_in_dim3A_98 : i1 to vector<16xi1>
      %unique3A_100, %unique3A_101 = tpu.scan_count mask(%broadcast_in_dim3A_99 : vector<16xi1>) value(%get3A_97 : vector<16xi32>) : vector<16xi1>, vector<16xi32>
      %convert_element_type3A_102 = arith.sitofp %unique3A_101 : vector<16xi32> to vector<16xf32>
      tpu.vector_store_idx %arg12[%get3A_97], %convert_element_type3A_102 masked %unique3A_100 {add = true} : memref<10240xf32, #tpu.memory_space<vmem>>[vector<16xi32>], vector<16xf32>, vector<16xi1>
      %get3A_103 = arith.index_cast %scan3A_32 : i32 to index
      %get3A_104 = arith.constant 112 : index
      %get3A_105 = tpu.vector_load %arg9[%get3A_103, %get3A_104] {strides = array<i32>} : memref<79x128xi32, #tpu.memory_space<vmem>>, vector<16xi32>,
      %broadcast_in_dim3A_106 = arith.constant true
      %broadcast_in_dim3A_107 = vector.broadcast %broadcast_in_dim3A_106 : i1 to vector<16xi1>
      %unique3A_108, %unique3A_109 = tpu.scan_count mask(%broadcast_in_dim3A_107 : vector<16xi1>) value(%get3A_105 : vector<16xi32>) : vector<16xi1>, vector<16xi32>
      %convert_element_type3A_110 = arith.sitofp %unique3A_109 : vector<16xi32> to vector<16xf32>
      tpu.vector_store_idx %arg12[%get3A_105], %convert_element_type3A_110 masked %unique3A_108 {add = true} : memref<10240xf32, #tpu.memory_space<vmem>>[vector<16xi32>], vector<16xf32>, vector<16xi1>
      %dma_wait3A = arith.constant 0 : i32
      %dma_wait3A_111 = arith.constant 0 : i32
      %dma_wait3A_112 = tpu.memref_slice %arg10[%dma_wait3A, %dma_wait3A_111] : memref<128x128xf32, #tpu.memory_space<vmem>> -> memref<64x128xf32, #tpu.memory_space<vmem>>
      %dma_wait3A_113 = arith.constant 0 : i32
      %dma_wait3A_114 = tpu.memref_slice %arg8[%scan3A_32, %dma_wait3A_113] : memref<79x128xi32, #tpu.memory_space<vmem>> -> memref<1x64xi32, #tpu.memory_space<vmem>>
      %dma_wait3A_115 = tpu.memref_squeeze %dma_wait3A_114 : memref<1x64xi32, #tpu.memory_space<vmem>> -> memref<64xi32, #tpu.memory_space<vmem>>
      %dma_wait3A_116 = arith.constant 0 : i32
      %dma_wait3A_117 = arith.constant 0 : i32
      %dma_wait3A_118 = tpu.memref_slice %arg2[%dma_wait3A_116, %dma_wait3A_117] : memref<10000x128xf32, #tpu.memory_space<hbm>> -> memref<10000x128xf32, #tpu.memory_space<hbm>>
      tpu.wait_indirect_dma semaphore(%arg11 : memref<!tpu.dma_semaphore, #tpu.memory_space<semaphore_mem>>) src(%dma_wait3A_118 : memref<10000x128xf32, #tpu.memory_space<hbm>>) dst(%dma_wait3A_112 : memref<64x128xf32, #tpu.memory_space<vmem>>)
      %dma_wait3A_119 = arith.constant 64 : i32
      %dma_wait3A_120 = arith.constant 0 : i32
      %dma_wait3A_121 = tpu.memref_slice %arg10[%dma_wait3A_119, %dma_wait3A_120] : memref<128x128xf32, #tpu.memory_space<vmem>> -> memref<64x128xf32, #tpu.memory_space<vmem>>
      %dma_wait3A_122 = arith.constant 64 : i32
      %dma_wait3A_123 = tpu.memref_slice %arg8[%scan3A_32, %dma_wait3A_122] : memref<79x128xi32, #tpu.memory_space<vmem>> -> memref<1x64xi32, #tpu.memory_space<vmem>>
      %dma_wait3A_124 = tpu.memref_squeeze %dma_wait3A_123 : memref<1x64xi32, #tpu.memory_space<vmem>> -> memref<64xi32, #tpu.memory_space<vmem>>
      %dma_wait3A_125 = arith.constant 0 : i32
      %dma_wait3A_126 = arith.constant 0 : i32
      %dma_wait3A_127 = tpu.memref_slice %arg2[%dma_wait3A_125, %dma_wait3A_126] : memref<10000x128xf32, #tpu.memory_space<hbm>> -> memref<10000x128xf32, #tpu.memory_space<hbm>>
      tpu.wait_indirect_dma semaphore(%arg11 : memref<!tpu.dma_semaphore, #tpu.memory_space<semaphore_mem>>) src(%dma_wait3A_127 : memref<10000x128xf32, #tpu.memory_space<hbm>>) dst(%dma_wait3A_121 : memref<64x128xf32, #tpu.memory_space<vmem>>)
      "tpu.region"() ({
        %run_scoped3A = tpu.sem_alloc : memref<!tpu.dma_semaphore, #tpu.memory_space<semaphore_mem>>
        %dma_start3A_128 = arith.constant 0 : i32
        %dma_start3A_129 = tpu.memref_slice %arg9[%scan3A_32, %dma_start3A_128] : memref<79x128xi32, #tpu.memory_space<vmem>> -> memref<1x128xi32, #tpu.memory_space<vmem>>
        %dma_start3A_130 = tpu.memref_squeeze %dma_start3A_129 : memref<1x128xi32, #tpu.memory_space<vmem>> -> memref<128xi32, #tpu.memory_space<vmem>>
        %dma_start3A_131 = arith.constant 0 : i32
        %dma_start3A_132 = arith.constant 0 : i32
        %dma_start3A_133 = tpu.memref_slice %arg7[%dma_start3A_131, %dma_start3A_132] : memref<10240x128xf32, #tpu.memory_space<vmem_shared>> -> memref<10240x128xf32, #tpu.memory_space<vmem_shared>>
        tpu.enqueue_indirect_dma source(%arg10 : memref<128x128xf32, #tpu.memory_space<vmem>>) target(%dma_start3A_133 : memref<10240x128xf32, #tpu.memory_space<vmem_shared>>) offsets(%dma_start3A_130 : memref<128xi32, #tpu.memory_space<vmem>>) semaphore(%run_scoped3A : memref<!tpu.dma_semaphore, #tpu.memory_space<semaphore_mem>>) {add = true}
        %dma_wait3A_134 = arith.constant 0 : i32
        %dma_wait3A_135 = tpu.memref_slice %arg9[%scan3A_32, %dma_wait3A_134] : memref<79x128xi32, #tpu.memory_space<vmem>> -> memref<1x128xi32, #tpu.memory_space<vmem>>
        %dma_wait3A_136 = tpu.memref_squeeze %dma_wait3A_135 : memref<1x128xi32, #tpu.memory_space<vmem>> -> memref<128xi32, #tpu.memory_space<vmem>>
        %dma_wait3A_137 = arith.constant 0 : i32
        %dma_wait3A_138 = arith.constant 0 : i32
        %dma_wait3A_139 = tpu.memref_slice %arg7[%dma_wait3A_137, %dma_wait3A_138] : memref<10240x128xf32, #tpu.memory_space<vmem_shared>> -> memref<10240x128xf32, #tpu.memory_space<vmem_shared>>
        tpu.wait_indirect_dma semaphore(%run_scoped3A : memref<!tpu.dma_semaphore, #tpu.memory_space<semaphore_mem>>) src(%arg10 : memref<128x128xf32, #tpu.memory_space<vmem>>) dst(%dma_wait3A_139 : memref<10240x128xf32, #tpu.memory_space<vmem_shared>>)
        tpu.yield
      }) : () -> ()
    }
    %scan3A_30 = arith.constant 79 : i32
    %barrier3A_31 = arith.constant 0 : index
    tpu.barrier barrier_id(%barrier3A_31)
    "tpu.region"() ({
      %run_scoped3A = tpu.sem_alloc : memref<!tpu.dma_semaphore, #tpu.memory_space<semaphore_mem>>
      %dma_start3A = arith.constant 0 : i32
      %dma_start3A_32 = tpu.memref_slice %arg5[%arg0, %mul3A_14, %dma_start3A] : memref<2x10240x128xf32, #tpu.memory_space<hbm>> -> memref<1x640x128xf32, #tpu.memory_space<hbm>>
      %dma_start3A_33 = tpu.memref_squeeze %dma_start3A_32 : memref<1x640x128xf32, #tpu.memory_space<hbm>> -> memref<640x128xf32, #tpu.memory_space<hbm>>
      %dma_start3A_34 = arith.constant 0 : i32
      %dma_start3A_35 = tpu.memref_slice %arg7[%mul3A_14, %dma_start3A_34] : memref<10240x128xf32, #tpu.memory_space<vmem_shared>> -> memref<640x128xf32, #tpu.memory_space<vmem_shared>>
      tpu.enqueue_dma source(%dma_start3A_35 : memref<640x128xf32, #tpu.memory_space<vmem_shared>>) target(%dma_start3A_33 : memref<640x128xf32, #tpu.memory_space<hbm>>) target_semaphore(%run_scoped3A : memref<!tpu.dma_semaphore, #tpu.memory_space<semaphore_mem>>)
      %dma_wait3A = arith.constant 0 : i32
      %dma_wait3A_36 = tpu.memref_slice %arg5[%arg0, %mul3A_14, %dma_wait3A] : memref<2x10240x128xf32, #tpu.memory_space<hbm>> -> memref<1x640x128xf32, #tpu.memory_space<hbm>>
      %dma_wait3A_37 = tpu.memref_squeeze %dma_wait3A_36 : memref<1x640x128xf32, #tpu.memory_space<hbm>> -> memref<640x128xf32, #tpu.memory_space<hbm>>
      %dma_wait3A_38 = arith.constant 0 : i32
      %dma_wait3A_39 = tpu.memref_slice %arg7[%mul3A_14, %dma_wait3A_38] : memref<10240x128xf32, #tpu.memory_space<vmem_shared>> -> memref<640x128xf32, #tpu.memory_space<vmem_shared>>
      tpu.wait_dma2 semaphore(%run_scoped3A : memref<!tpu.dma_semaphore, #tpu.memory_space<semaphore_mem>>) src(%dma_wait3A_39 : memref<640x128xf32, #tpu.memory_space<vmem_shared>>) dst(%dma_wait3A_37 : memref<640x128xf32, #tpu.memory_space<hbm>>)
      tpu.yield
    }) : () -> ()
    "tpu.region"() ({
      %run_scoped3A = tpu.sem_alloc : memref<!tpu.dma_semaphore, #tpu.memory_space<semaphore_mem>>
      %dma_start3A = arith.constant 0 : i32
      %dma_start3A_32 = tpu.memref_slice %arg6[%add3A, %dma_start3A] : memref<32x10240xf32, #tpu.memory_space<hbm>> -> memref<1x10240xf32, #tpu.memory_space<hbm>>
      %dma_start3A_33 = tpu.memref_squeeze %dma_start3A_32 : memref<1x10240xf32, #tpu.memory_space<hbm>> -> memref<10240xf32, #tpu.memory_space<hbm>>
      %dma_start3A_34 = arith.constant 0 : i32
      %dma_start3A_35 = tpu.memref_slice %arg6[%add3A, %dma_start3A_34] : memref<32x10240xf32, #tpu.memory_space<hbm>> -> memref<1x10240xf32, #tpu.memory_space<hbm>>
      %dma_start3A_36 = tpu.memref_squeeze %dma_start3A_35 : memref<1x10240xf32, #tpu.memory_space<hbm>> -> memref<10240xf32, #tpu.memory_space<hbm>>
      tpu.enqueue_dma source(%arg12 : memref<10240xf32, #tpu.memory_space<vmem>>) target(%dma_start3A_36 : memref<10240xf32, #tpu.memory_space<hbm>>) target_semaphore(%run_scoped3A : memref<!tpu.dma_semaphore, #tpu.memory_space<semaphore_mem>>)
      %dma_wait3A = arith.constant 0 : i32
      %dma_wait3A_37 = tpu.memref_slice %arg6[%add3A, %dma_wait3A] : memref<32x10240xf32, #tpu.memory_space<hbm>> -> memref<1x10240xf32, #tpu.memory_space<hbm>>
      %dma_wait3A_38 = tpu.memref_squeeze %dma_wait3A_37 : memref<1x10240xf32, #tpu.memory_space<hbm>> -> memref<10240xf32, #tpu.memory_space<hbm>>
      %dma_wait3A_39 = arith.constant 0 : i32
      %dma_wait3A_40 = tpu.memref_slice %arg6[%add3A, %dma_wait3A_39] : memref<32x10240xf32, #tpu.memory_space<hbm>> -> memref<1x10240xf32, #tpu.memory_space<hbm>>
      %dma_wait3A_41 = tpu.memref_squeeze %dma_wait3A_40 : memref<1x10240xf32, #tpu.memory_space<hbm>> -> memref<10240xf32, #tpu.memory_space<hbm>>
      tpu.wait_dma2 semaphore(%run_scoped3A : memref<!tpu.dma_semaphore, #tpu.memory_space<semaphore_mem>>) src(%arg12 : memref<10240xf32, #tpu.memory_space<vmem>>) dst(%dma_wait3A_41 : memref<10240xf32, #tpu.memory_space<hbm>>)
      tpu.yield
    }) : () -> ()
    return
  }
}

#map = affine_map<(d0, d1) -> (0, 0)>
#map1 = affine_map<(d0, d1) -> (0, 0, 0)>
module attributes {stable_mosaic.version = 14 : i64} {
  func.func @body(%arg0: i32, %arg1: i32, %arg2: memref<10000x128xf32, #tpu.memory_space<hbm>>, %arg3: memref<32x79x128xi32, #tpu.memory_space<hbm>>, %arg4: memref<32x79x128xi32, #tpu.memory_space<hbm>>, %arg5: memref<2x10240x128xf32, #tpu.memory_space<hbm>>, %arg6: memref<10240x128xf32, #tpu.memory_space<vmem_shared>>, %arg7: memref<79x128xi32, #tpu.memory_space<vmem>>, %arg8: memref<79x128xi32, #tpu.memory_space<vmem>>, %arg9: memref<128x128xf32, #tpu.memory_space<vmem>>, %arg10: memref<!tpu.dma_semaphore, #tpu.memory_space<semaphore_mem>>) attributes {dimension_semantics = [#tpu.dimension_semantics<core_parallel>, #tpu.dimension_semantics<subcore_parallel>], iteration_bounds = array<i64: 2, 16>, scalar_prefetch = 0 : i64, scratch_operands = 5 : i64, tpu.core_type = #tpu.core_type<sc_vector_subcore>, window_params = [{transform_indices = #map}, {transform_indices = #map1}, {transform_indices = #map1}, {transform_indices = #map1}]} {
    %mul3A = arith.constant 2 : i32
    %mul3A_0 = arith.muli %arg1, %mul3A : i32
    %add3A = arith.addi %mul3A_0, %arg0 : i32
    %broadcast_in_dim3A = arith.constant 0.000000e+00 : f32
    %broadcast_in_dim3A_1 = vector.broadcast %broadcast_in_dim3A : f32 to vector<16xf32>
    %scan3A = arith.constant 0 : i32
    %scan3A_2 = arith.constant 0 : i32
    %scan3A_3 = arith.constant 128 : i32
    %scan3A_4 = arith.addi %scan3A_2, %scan3A_3 : i32
    %scan3A_5 = arith.constant 1 : i32
    scf.for %scan3A_26 = %scan3A_2 to %scan3A_4 step %scan3A_5  : i32 {
      %swap3A = arith.index_cast %scan3A_26 : i32 to index
      %swap3A_27 = arith.constant 0 : index
      %swap3A_28 = tpu.vector_load %arg9[%swap3A, %swap3A_27] {strides = array<i32>} : memref<128x128xf32, #tpu.memory_space<vmem>>, vector<16xf32>,
      tpu.vector_store %arg9[%swap3A, %swap3A_27], %broadcast_in_dim3A_1 {strides = array<i32>} : memref<128x128xf32, #tpu.memory_space<vmem>>, vector<16xf32>,
      %swap3A_29 = arith.index_cast %scan3A_26 : i32 to index
      %swap3A_30 = arith.constant 16 : index
      %swap3A_31 = tpu.vector_load %arg9[%swap3A_29, %swap3A_30] {strides = array<i32>} : memref<128x128xf32, #tpu.memory_space<vmem>>, vector<16xf32>,
      tpu.vector_store %arg9[%swap3A_29, %swap3A_30], %broadcast_in_dim3A_1 {strides = array<i32>} : memref<128x128xf32, #tpu.memory_space<vmem>>, vector<16xf32>,
      %swap3A_32 = arith.index_cast %scan3A_26 : i32 to index
      %swap3A_33 = arith.constant 32 : index
      %swap3A_34 = tpu.vector_load %arg9[%swap3A_32, %swap3A_33] {strides = array<i32>} : memref<128x128xf32, #tpu.memory_space<vmem>>, vector<16xf32>,
      tpu.vector_store %arg9[%swap3A_32, %swap3A_33], %broadcast_in_dim3A_1 {strides = array<i32>} : memref<128x128xf32, #tpu.memory_space<vmem>>, vector<16xf32>,
      %swap3A_35 = arith.index_cast %scan3A_26 : i32 to index
      %swap3A_36 = arith.constant 48 : index
      %swap3A_37 = tpu.vector_load %arg9[%swap3A_35, %swap3A_36] {strides = array<i32>} : memref<128x128xf32, #tpu.memory_space<vmem>>, vector<16xf32>,
      tpu.vector_store %arg9[%swap3A_35, %swap3A_36], %broadcast_in_dim3A_1 {strides = array<i32>} : memref<128x128xf32, #tpu.memory_space<vmem>>, vector<16xf32>,
      %swap3A_38 = arith.index_cast %scan3A_26 : i32 to index
      %swap3A_39 = arith.constant 64 : index
      %swap3A_40 = tpu.vector_load %arg9[%swap3A_38, %swap3A_39] {strides = array<i32>} : memref<128x128xf32, #tpu.memory_space<vmem>>, vector<16xf32>,
      tpu.vector_store %arg9[%swap3A_38, %swap3A_39], %broadcast_in_dim3A_1 {strides = array<i32>} : memref<128x128xf32, #tpu.memory_space<vmem>>, vector<16xf32>,
      %swap3A_41 = arith.index_cast %scan3A_26 : i32 to index
      %swap3A_42 = arith.constant 80 : index
      %swap3A_43 = tpu.vector_load %arg9[%swap3A_41, %swap3A_42] {strides = array<i32>} : memref<128x128xf32, #tpu.memory_space<vmem>>, vector<16xf32>,
      tpu.vector_store %arg9[%swap3A_41, %swap3A_42], %broadcast_in_dim3A_1 {strides = array<i32>} : memref<128x128xf32, #tpu.memory_space<vmem>>, vector<16xf32>,
      %swap3A_44 = arith.index_cast %scan3A_26 : i32 to index
      %swap3A_45 = arith.constant 96 : index
      %swap3A_46 = tpu.vector_load %arg9[%swap3A_44, %swap3A_45] {strides = array<i32>} : memref<128x128xf32, #tpu.memory_space<vmem>>, vector<16xf32>,
      tpu.vector_store %arg9[%swap3A_44, %swap3A_45], %broadcast_in_dim3A_1 {strides = array<i32>} : memref<128x128xf32, #tpu.memory_space<vmem>>, vector<16xf32>,
      %swap3A_47 = arith.index_cast %scan3A_26 : i32 to index
      %swap3A_48 = arith.constant 112 : index
      %swap3A_49 = tpu.vector_load %arg9[%swap3A_47, %swap3A_48] {strides = array<i32>} : memref<128x128xf32, #tpu.memory_space<vmem>>, vector<16xf32>,
      tpu.vector_store %arg9[%swap3A_47, %swap3A_48], %broadcast_in_dim3A_1 {strides = array<i32>} : memref<128x128xf32, #tpu.memory_space<vmem>>, vector<16xf32>,
    }
    %scan3A_6 = arith.constant 128 : i32
    %mul3A_7 = arith.constant 640 : i32
    %mul3A_8 = arith.muli %arg1, %mul3A_7 : i32
    %add3A_9 = arith.constant 0 : i32
    %add3A_10 = arith.addi %mul3A_8, %add3A_9 : i32
    "tpu.region"() ({
      %run_scoped3A = tpu.sem_alloc : memref<!tpu.dma_semaphore, #tpu.memory_space<semaphore_mem>>
      %dma_start3A = arith.constant 0 : i32
      %dma_start3A_26 = tpu.memref_slice %arg6[%add3A_10, %dma_start3A] : memref<10240x128xf32, #tpu.memory_space<vmem_shared>> -> memref<128x128xf32, #tpu.memory_space<vmem_shared>>
      %dma_start3A_27 = arith.constant 0 : i32
      %dma_start3A_28 = tpu.memref_slice %arg6[%add3A_10, %dma_start3A_27] : memref<10240x128xf32, #tpu.memory_space<vmem_shared>> -> memref<128x128xf32, #tpu.memory_space<vmem_shared>>
      tpu.enqueue_dma source(%arg9 : memref<128x128xf32, #tpu.memory_space<vmem>>) target(%dma_start3A_28 : memref<128x128xf32, #tpu.memory_space<vmem_shared>>) target_semaphore(%run_scoped3A : memref<!tpu.dma_semaphore, #tpu.memory_space<semaphore_mem>>)
      %dma_wait3A = arith.constant 0 : i32
      %dma_wait3A_29 = tpu.memref_slice %arg6[%add3A_10, %dma_wait3A] : memref<10240x128xf32, #tpu.memory_space<vmem_shared>> -> memref<128x128xf32, #tpu.memory_space<vmem_shared>>
      %dma_wait3A_30 = arith.constant 0 : i32
      %dma_wait3A_31 = tpu.memref_slice %arg6[%add3A_10, %dma_wait3A_30] : memref<10240x128xf32, #tpu.memory_space<vmem_shared>> -> memref<128x128xf32, #tpu.memory_space<vmem_shared>>
      tpu.wait_dma2 semaphore(%run_scoped3A : memref<!tpu.dma_semaphore, #tpu.memory_space<semaphore_mem>>) src(%arg9 : memref<128x128xf32, #tpu.memory_space<vmem>>) dst(%dma_wait3A_31 : memref<128x128xf32, #tpu.memory_space<vmem_shared>>)
      tpu.yield
    }) : () -> ()
    %add3A_11 = arith.constant 128 : i32
    %add3A_12 = arith.addi %mul3A_8, %add3A_11 : i32
    "tpu.region"() ({
      %run_scoped3A = tpu.sem_alloc : memref<!tpu.dma_semaphore, #tpu.memory_space<semaphore_mem>>
      %dma_start3A = arith.constant 0 : i32
      %dma_start3A_26 = tpu.memref_slice %arg6[%add3A_12, %dma_start3A] : memref<10240x128xf32, #tpu.memory_space<vmem_shared>> -> memref<128x128xf32, #tpu.memory_space<vmem_shared>>
      %dma_start3A_27 = arith.constant 0 : i32
      %dma_start3A_28 = tpu.memref_slice %arg6[%add3A_12, %dma_start3A_27] : memref<10240x128xf32, #tpu.memory_space<vmem_shared>> -> memref<128x128xf32, #tpu.memory_space<vmem_shared>>
      tpu.enqueue_dma source(%arg9 : memref<128x128xf32, #tpu.memory_space<vmem>>) target(%dma_start3A_28 : memref<128x128xf32, #tpu.memory_space<vmem_shared>>) target_semaphore(%run_scoped3A : memref<!tpu.dma_semaphore, #tpu.memory_space<semaphore_mem>>)
      %dma_wait3A = arith.constant 0 : i32
      %dma_wait3A_29 = tpu.memref_slice %arg6[%add3A_12, %dma_wait3A] : memref<10240x128xf32, #tpu.memory_space<vmem_shared>> -> memref<128x128xf32, #tpu.memory_space<vmem_shared>>
      %dma_wait3A_30 = arith.constant 0 : i32
      %dma_wait3A_31 = tpu.memref_slice %arg6[%add3A_12, %dma_wait3A_30] : memref<10240x128xf32, #tpu.memory_space<vmem_shared>> -> memref<128x128xf32, #tpu.memory_space<vmem_shared>>
      tpu.wait_dma2 semaphore(%run_scoped3A : memref<!tpu.dma_semaphore, #tpu.memory_space<semaphore_mem>>) src(%arg9 : memref<128x128xf32, #tpu.memory_space<vmem>>) dst(%dma_wait3A_31 : memref<128x128xf32, #tpu.memory_space<vmem_shared>>)
      tpu.yield
    }) : () -> ()
    %add3A_13 = arith.constant 256 : i32
    %add3A_14 = arith.addi %mul3A_8, %add3A_13 : i32
    "tpu.region"() ({
      %run_scoped3A = tpu.sem_alloc : memref<!tpu.dma_semaphore, #tpu.memory_space<semaphore_mem>>
      %dma_start3A = arith.constant 0 : i32
      %dma_start3A_26 = tpu.memref_slice %arg6[%add3A_14, %dma_start3A] : memref<10240x128xf32, #tpu.memory_space<vmem_shared>> -> memref<128x128xf32, #tpu.memory_space<vmem_shared>>
      %dma_start3A_27 = arith.constant 0 : i32
      %dma_start3A_28 = tpu.memref_slice %arg6[%add3A_14, %dma_start3A_27] : memref<10240x128xf32, #tpu.memory_space<vmem_shared>> -> memref<128x128xf32, #tpu.memory_space<vmem_shared>>
      tpu.enqueue_dma source(%arg9 : memref<128x128xf32, #tpu.memory_space<vmem>>) target(%dma_start3A_28 : memref<128x128xf32, #tpu.memory_space<vmem_shared>>) target_semaphore(%run_scoped3A : memref<!tpu.dma_semaphore, #tpu.memory_space<semaphore_mem>>)
      %dma_wait3A = arith.constant 0 : i32
      %dma_wait3A_29 = tpu.memref_slice %arg6[%add3A_14, %dma_wait3A] : memref<10240x128xf32, #tpu.memory_space<vmem_shared>> -> memref<128x128xf32, #tpu.memory_space<vmem_shared>>
      %dma_wait3A_30 = arith.constant 0 : i32
      %dma_wait3A_31 = tpu.memref_slice %arg6[%add3A_14, %dma_wait3A_30] : memref<10240x128xf32, #tpu.memory_space<vmem_shared>> -> memref<128x128xf32, #tpu.memory_space<vmem_shared>>
      tpu.wait_dma2 semaphore(%run_scoped3A : memref<!tpu.dma_semaphore, #tpu.memory_space<semaphore_mem>>) src(%arg9 : memref<128x128xf32, #tpu.memory_space<vmem>>) dst(%dma_wait3A_31 : memref<128x128xf32, #tpu.memory_space<vmem_shared>>)
      tpu.yield
    }) : () -> ()
    %add3A_15 = arith.constant 384 : i32
    %add3A_16 = arith.addi %mul3A_8, %add3A_15 : i32
    "tpu.region"() ({
      %run_scoped3A = tpu.sem_alloc : memref<!tpu.dma_semaphore, #tpu.memory_space<semaphore_mem>>
      %dma_start3A = arith.constant 0 : i32
      %dma_start3A_26 = tpu.memref_slice %arg6[%add3A_16, %dma_start3A] : memref<10240x128xf32, #tpu.memory_space<vmem_shared>> -> memref<128x128xf32, #tpu.memory_space<vmem_shared>>
      %dma_start3A_27 = arith.constant 0 : i32
      %dma_start3A_28 = tpu.memref_slice %arg6[%add3A_16, %dma_start3A_27] : memref<10240x128xf32, #tpu.memory_space<vmem_shared>> -> memref<128x128xf32, #tpu.memory_space<vmem_shared>>
      tpu.enqueue_dma source(%arg9 : memref<128x128xf32, #tpu.memory_space<vmem>>) target(%dma_start3A_28 : memref<128x128xf32, #tpu.memory_space<vmem_shared>>) target_semaphore(%run_scoped3A : memref<!tpu.dma_semaphore, #tpu.memory_space<semaphore_mem>>)
      %dma_wait3A = arith.constant 0 : i32
      %dma_wait3A_29 = tpu.memref_slice %arg6[%add3A_16, %dma_wait3A] : memref<10240x128xf32, #tpu.memory_space<vmem_shared>> -> memref<128x128xf32, #tpu.memory_space<vmem_shared>>
      %dma_wait3A_30 = arith.constant 0 : i32
      %dma_wait3A_31 = tpu.memref_slice %arg6[%add3A_16, %dma_wait3A_30] : memref<10240x128xf32, #tpu.memory_space<vmem_shared>> -> memref<128x128xf32, #tpu.memory_space<vmem_shared>>
      tpu.wait_dma2 semaphore(%run_scoped3A : memref<!tpu.dma_semaphore, #tpu.memory_space<semaphore_mem>>) src(%arg9 : memref<128x128xf32, #tpu.memory_space<vmem>>) dst(%dma_wait3A_31 : memref<128x128xf32, #tpu.memory_space<vmem_shared>>)
      tpu.yield
    }) : () -> ()
    %add3A_17 = arith.constant 512 : i32
    %add3A_18 = arith.addi %mul3A_8, %add3A_17 : i32
    "tpu.region"() ({
      %run_scoped3A = tpu.sem_alloc : memref<!tpu.dma_semaphore, #tpu.memory_space<semaphore_mem>>
      %dma_start3A = arith.constant 0 : i32
      %dma_start3A_26 = tpu.memref_slice %arg6[%add3A_18, %dma_start3A] : memref<10240x128xf32, #tpu.memory_space<vmem_shared>> -> memref<128x128xf32, #tpu.memory_space<vmem_shared>>
      %dma_start3A_27 = arith.constant 0 : i32
      %dma_start3A_28 = tpu.memref_slice %arg6[%add3A_18, %dma_start3A_27] : memref<10240x128xf32, #tpu.memory_space<vmem_shared>> -> memref<128x128xf32, #tpu.memory_space<vmem_shared>>
      tpu.enqueue_dma source(%arg9 : memref<128x128xf32, #tpu.memory_space<vmem>>) target(%dma_start3A_28 : memref<128x128xf32, #tpu.memory_space<vmem_shared>>) target_semaphore(%run_scoped3A : memref<!tpu.dma_semaphore, #tpu.memory_space<semaphore_mem>>)
      %dma_wait3A = arith.constant 0 : i32
      %dma_wait3A_29 = tpu.memref_slice %arg6[%add3A_18, %dma_wait3A] : memref<10240x128xf32, #tpu.memory_space<vmem_shared>> -> memref<128x128xf32, #tpu.memory_space<vmem_shared>>
      %dma_wait3A_30 = arith.constant 0 : i32
      %dma_wait3A_31 = tpu.memref_slice %arg6[%add3A_18, %dma_wait3A_30] : memref<10240x128xf32, #tpu.memory_space<vmem_shared>> -> memref<128x128xf32, #tpu.memory_space<vmem_shared>>
      tpu.wait_dma2 semaphore(%run_scoped3A : memref<!tpu.dma_semaphore, #tpu.memory_space<semaphore_mem>>) src(%arg9 : memref<128x128xf32, #tpu.memory_space<vmem>>) dst(%dma_wait3A_31 : memref<128x128xf32, #tpu.memory_space<vmem_shared>>)
      tpu.yield
    }) : () -> ()
    "tpu.region"() ({
      %run_scoped3A = tpu.sem_alloc : memref<!tpu.dma_semaphore, #tpu.memory_space<semaphore_mem>>
      %dma_start3A = arith.constant 0 : i32
      %dma_start3A_26 = arith.constant 0 : i32
      %dma_start3A_27 = tpu.memref_slice %arg3[%add3A, %dma_start3A, %dma_start3A_26] : memref<32x79x128xi32, #tpu.memory_space<hbm>> -> memref<1x79x128xi32, #tpu.memory_space<hbm>>
      %dma_start3A_28 = tpu.memref_squeeze %dma_start3A_27 : memref<1x79x128xi32, #tpu.memory_space<hbm>> -> memref<79x128xi32, #tpu.memory_space<hbm>>
      %dma_start3A_29 = arith.constant 0 : i32
      %dma_start3A_30 = arith.constant 0 : i32
      %dma_start3A_31 = tpu.memref_slice %arg3[%add3A, %dma_start3A_29, %dma_start3A_30] : memref<32x79x128xi32, #tpu.memory_space<hbm>> -> memref<1x79x128xi32, #tpu.memory_space<hbm>>
      %dma_start3A_32 = tpu.memref_squeeze %dma_start3A_31 : memref<1x79x128xi32, #tpu.memory_space<hbm>> -> memref<79x128xi32, #tpu.memory_space<hbm>>
      tpu.enqueue_dma source(%dma_start3A_32 : memref<79x128xi32, #tpu.memory_space<hbm>>) target(%arg7 : memref<79x128xi32, #tpu.memory_space<vmem>>) target_semaphore(%run_scoped3A : memref<!tpu.dma_semaphore, #tpu.memory_space<semaphore_mem>>)
      %dma_wait3A = arith.constant 0 : i32
      %dma_wait3A_33 = arith.constant 0 : i32
      %dma_wait3A_34 = tpu.memref_slice %arg3[%add3A, %dma_wait3A, %dma_wait3A_33] : memref<32x79x128xi32, #tpu.memory_space<hbm>> -> memref<1x79x128xi32, #tpu.memory_space<hbm>>
      %dma_wait3A_35 = tpu.memref_squeeze %dma_wait3A_34 : memref<1x79x128xi32, #tpu.memory_space<hbm>> -> memref<79x128xi32, #tpu.memory_space<hbm>>
      %dma_wait3A_36 = arith.constant 0 : i32
      %dma_wait3A_37 = arith.constant 0 : i32
      %dma_wait3A_38 = tpu.memref_slice %arg3[%add3A, %dma_wait3A_36, %dma_wait3A_37] : memref<32x79x128xi32, #tpu.memory_space<hbm>> -> memref<1x79x128xi32, #tpu.memory_space<hbm>>
      %dma_wait3A_39 = tpu.memref_squeeze %dma_wait3A_38 : memref<1x79x128xi32, #tpu.memory_space<hbm>> -> memref<79x128xi32, #tpu.memory_space<hbm>>
      tpu.wait_dma2 semaphore(%run_scoped3A : memref<!tpu.dma_semaphore, #tpu.memory_space<semaphore_mem>>) src(%dma_wait3A_39 : memref<79x128xi32, #tpu.memory_space<hbm>>) dst(%arg7 : memref<79x128xi32, #tpu.memory_space<vmem>>)
      tpu.yield
    }) : () -> ()
    "tpu.region"() ({
      %run_scoped3A = tpu.sem_alloc : memref<!tpu.dma_semaphore, #tpu.memory_space<semaphore_mem>>
      %dma_start3A = arith.constant 0 : i32
      %dma_start3A_26 = arith.constant 0 : i32
      %dma_start3A_27 = tpu.memref_slice %arg4[%add3A, %dma_start3A, %dma_start3A_26] : memref<32x79x128xi32, #tpu.memory_space<hbm>> -> memref<1x79x128xi32, #tpu.memory_space<hbm>>
      %dma_start3A_28 = tpu.memref_squeeze %dma_start3A_27 : memref<1x79x128xi32, #tpu.memory_space<hbm>> -> memref<79x128xi32, #tpu.memory_space<hbm>>
      %dma_start3A_29 = arith.constant 0 : i32
      %dma_start3A_30 = arith.constant 0 : i32
      %dma_start3A_31 = tpu.memref_slice %arg4[%add3A, %dma_start3A_29, %dma_start3A_30] : memref<32x79x128xi32, #tpu.memory_space<hbm>> -> memref<1x79x128xi32, #tpu.memory_space<hbm>>
      %dma_start3A_32 = tpu.memref_squeeze %dma_start3A_31 : memref<1x79x128xi32, #tpu.memory_space<hbm>> -> memref<79x128xi32, #tpu.memory_space<hbm>>
      tpu.enqueue_dma source(%dma_start3A_32 : memref<79x128xi32, #tpu.memory_space<hbm>>) target(%arg8 : memref<79x128xi32, #tpu.memory_space<vmem>>) target_semaphore(%run_scoped3A : memref<!tpu.dma_semaphore, #tpu.memory_space<semaphore_mem>>)
      %dma_wait3A = arith.constant 0 : i32
      %dma_wait3A_33 = arith.constant 0 : i32
      %dma_wait3A_34 = tpu.memref_slice %arg4[%add3A, %dma_wait3A, %dma_wait3A_33] : memref<32x79x128xi32, #tpu.memory_space<hbm>> -> memref<1x79x128xi32, #tpu.memory_space<hbm>>
      %dma_wait3A_35 = tpu.memref_squeeze %dma_wait3A_34 : memref<1x79x128xi32, #tpu.memory_space<hbm>> -> memref<79x128xi32, #tpu.memory_space<hbm>>
      %dma_wait3A_36 = arith.constant 0 : i32
      %dma_wait3A_37 = arith.constant 0 : i32
      %dma_wait3A_38 = tpu.memref_slice %arg4[%add3A, %dma_wait3A_36, %dma_wait3A_37] : memref<32x79x128xi32, #tpu.memory_space<hbm>> -> memref<1x79x128xi32, #tpu.memory_space<hbm>>
      %dma_wait3A_39 = tpu.memref_squeeze %dma_wait3A_38 : memref<1x79x128xi32, #tpu.memory_space<hbm>> -> memref<79x128xi32, #tpu.memory_space<hbm>>
      tpu.wait_dma2 semaphore(%run_scoped3A : memref<!tpu.dma_semaphore, #tpu.memory_space<semaphore_mem>>) src(%dma_wait3A_39 : memref<79x128xi32, #tpu.memory_space<hbm>>) dst(%arg8 : memref<79x128xi32, #tpu.memory_space<vmem>>)
      tpu.yield
    }) : () -> ()
    %barrier3A = arith.constant 0 : index
    tpu.barrier barrier_id(%barrier3A)
    %scan3A_19 = arith.constant 0 : i32
    %scan3A_20 = arith.constant 0 : i32
    %scan3A_21 = arith.constant 79 : i32
    %scan3A_22 = arith.addi %scan3A_20, %scan3A_21 : i32
    %scan3A_23 = arith.constant 1 : i32
    scf.for %scan3A_26 = %scan3A_20 to %scan3A_22 step %scan3A_23  : i32 {
      %dma_start3A = arith.constant 0 : i32
      %dma_start3A_27 = arith.constant 0 : i32
      %dma_start3A_28 = tpu.memref_slice %arg9[%dma_start3A, %dma_start3A_27] : memref<128x128xf32, #tpu.memory_space<vmem>> -> memref<64x128xf32, #tpu.memory_space<vmem>>
      %dma_start3A_29 = arith.constant 0 : i32
      %dma_start3A_30 = tpu.memref_slice %arg7[%scan3A_26, %dma_start3A_29] : memref<79x128xi32, #tpu.memory_space<vmem>> -> memref<1x64xi32, #tpu.memory_space<vmem>>
      %dma_start3A_31 = tpu.memref_squeeze %dma_start3A_30 : memref<1x64xi32, #tpu.memory_space<vmem>> -> memref<64xi32, #tpu.memory_space<vmem>>
      %dma_start3A_32 = arith.constant 0 : i32
      %dma_start3A_33 = arith.constant 0 : i32
      %dma_start3A_34 = tpu.memref_slice %arg2[%dma_start3A_32, %dma_start3A_33] : memref<10000x128xf32, #tpu.memory_space<hbm>> -> memref<10000x128xf32, #tpu.memory_space<hbm>>
      tpu.enqueue_indirect_dma source(%dma_start3A_34 : memref<10000x128xf32, #tpu.memory_space<hbm>>) target(%dma_start3A_28 : memref<64x128xf32, #tpu.memory_space<vmem>>) offsets(%dma_start3A_31 : memref<64xi32, #tpu.memory_space<vmem>>) semaphore(%arg10 : memref<!tpu.dma_semaphore, #tpu.memory_space<semaphore_mem>>)
      %dma_start3A_35 = arith.constant 64 : i32
      %dma_start3A_36 = arith.constant 0 : i32
      %dma_start3A_37 = tpu.memref_slice %arg9[%dma_start3A_35, %dma_start3A_36] : memref<128x128xf32, #tpu.memory_space<vmem>> -> memref<64x128xf32, #tpu.memory_space<vmem>>
      %dma_start3A_38 = arith.constant 64 : i32
      %dma_start3A_39 = tpu.memref_slice %arg7[%scan3A_26, %dma_start3A_38] : memref<79x128xi32, #tpu.memory_space<vmem>> -> memref<1x64xi32, #tpu.memory_space<vmem>>
      %dma_start3A_40 = tpu.memref_squeeze %dma_start3A_39 : memref<1x64xi32, #tpu.memory_space<vmem>> -> memref<64xi32, #tpu.memory_space<vmem>>
      %dma_start3A_41 = arith.constant 0 : i32
      %dma_start3A_42 = arith.constant 0 : i32
      %dma_start3A_43 = tpu.memref_slice %arg2[%dma_start3A_41, %dma_start3A_42] : memref<10000x128xf32, #tpu.memory_space<hbm>> -> memref<10000x128xf32, #tpu.memory_space<hbm>>
      tpu.enqueue_indirect_dma source(%dma_start3A_43 : memref<10000x128xf32, #tpu.memory_space<hbm>>) target(%dma_start3A_37 : memref<64x128xf32, #tpu.memory_space<vmem>>) offsets(%dma_start3A_40 : memref<64xi32, #tpu.memory_space<vmem>>) semaphore(%arg10 : memref<!tpu.dma_semaphore, #tpu.memory_space<semaphore_mem>>)
      %dma_wait3A = arith.constant 0 : i32
      %dma_wait3A_44 = arith.constant 0 : i32
      %dma_wait3A_45 = tpu.memref_slice %arg9[%dma_wait3A, %dma_wait3A_44] : memref<128x128xf32, #tpu.memory_space<vmem>> -> memref<64x128xf32, #tpu.memory_space<vmem>>
      %dma_wait3A_46 = arith.constant 0 : i32
      %dma_wait3A_47 = tpu.memref_slice %arg7[%scan3A_26, %dma_wait3A_46] : memref<79x128xi32, #tpu.memory_space<vmem>> -> memref<1x64xi32, #tpu.memory_space<vmem>>
      %dma_wait3A_48 = tpu.memref_squeeze %dma_wait3A_47 : memref<1x64xi32, #tpu.memory_space<vmem>> -> memref<64xi32, #tpu.memory_space<vmem>>
      %dma_wait3A_49 = arith.constant 0 : i32
      %dma_wait3A_50 = arith.constant 0 : i32
      %dma_wait3A_51 = tpu.memref_slice %arg2[%dma_wait3A_49, %dma_wait3A_50] : memref<10000x128xf32, #tpu.memory_space<hbm>> -> memref<10000x128xf32, #tpu.memory_space<hbm>>
      tpu.wait_indirect_dma semaphore(%arg10 : memref<!tpu.dma_semaphore, #tpu.memory_space<semaphore_mem>>) src(%dma_wait3A_51 : memref<10000x128xf32, #tpu.memory_space<hbm>>) dst(%dma_wait3A_45 : memref<64x128xf32, #tpu.memory_space<vmem>>)
      %dma_wait3A_52 = arith.constant 64 : i32
      %dma_wait3A_53 = arith.constant 0 : i32
      %dma_wait3A_54 = tpu.memref_slice %arg9[%dma_wait3A_52, %dma_wait3A_53] : memref<128x128xf32, #tpu.memory_space<vmem>> -> memref<64x128xf32, #tpu.memory_space<vmem>>
      %dma_wait3A_55 = arith.constant 64 : i32
      %dma_wait3A_56 = tpu.memref_slice %arg7[%scan3A_26, %dma_wait3A_55] : memref<79x128xi32, #tpu.memory_space<vmem>> -> memref<1x64xi32, #tpu.memory_space<vmem>>
      %dma_wait3A_57 = tpu.memref_squeeze %dma_wait3A_56 : memref<1x64xi32, #tpu.memory_space<vmem>> -> memref<64xi32, #tpu.memory_space<vmem>>
      %dma_wait3A_58 = arith.constant 0 : i32
      %dma_wait3A_59 = arith.constant 0 : i32
      %dma_wait3A_60 = tpu.memref_slice %arg2[%dma_wait3A_58, %dma_wait3A_59] : memref<10000x128xf32, #tpu.memory_space<hbm>> -> memref<10000x128xf32, #tpu.memory_space<hbm>>
      tpu.wait_indirect_dma semaphore(%arg10 : memref<!tpu.dma_semaphore, #tpu.memory_space<semaphore_mem>>) src(%dma_wait3A_60 : memref<10000x128xf32, #tpu.memory_space<hbm>>) dst(%dma_wait3A_54 : memref<64x128xf32, #tpu.memory_space<vmem>>)
      "tpu.region"() ({
        %run_scoped3A = tpu.sem_alloc : memref<!tpu.dma_semaphore, #tpu.memory_space<semaphore_mem>>
        %dma_start3A_61 = arith.constant 0 : i32
        %dma_start3A_62 = tpu.memref_slice %arg8[%scan3A_26, %dma_start3A_61] : memref<79x128xi32, #tpu.memory_space<vmem>> -> memref<1x128xi32, #tpu.memory_space<vmem>>
        %dma_start3A_63 = tpu.memref_squeeze %dma_start3A_62 : memref<1x128xi32, #tpu.memory_space<vmem>> -> memref<128xi32, #tpu.memory_space<vmem>>
        %dma_start3A_64 = arith.constant 0 : i32
        %dma_start3A_65 = arith.constant 0 : i32
        %dma_start3A_66 = tpu.memref_slice %arg6[%dma_start3A_64, %dma_start3A_65] : memref<10240x128xf32, #tpu.memory_space<vmem_shared>> -> memref<10240x128xf32, #tpu.memory_space<vmem_shared>>
        tpu.enqueue_indirect_dma source(%arg9 : memref<128x128xf32, #tpu.memory_space<vmem>>) target(%dma_start3A_66 : memref<10240x128xf32, #tpu.memory_space<vmem_shared>>) offsets(%dma_start3A_63 : memref<128xi32, #tpu.memory_space<vmem>>) semaphore(%run_scoped3A : memref<!tpu.dma_semaphore, #tpu.memory_space<semaphore_mem>>) {add = true}
        %dma_wait3A_67 = arith.constant 0 : i32
        %dma_wait3A_68 = tpu.memref_slice %arg8[%scan3A_26, %dma_wait3A_67] : memref<79x128xi32, #tpu.memory_space<vmem>> -> memref<1x128xi32, #tpu.memory_space<vmem>>
        %dma_wait3A_69 = tpu.memref_squeeze %dma_wait3A_68 : memref<1x128xi32, #tpu.memory_space<vmem>> -> memref<128xi32, #tpu.memory_space<vmem>>
        %dma_wait3A_70 = arith.constant 0 : i32
        %dma_wait3A_71 = arith.constant 0 : i32
        %dma_wait3A_72 = tpu.memref_slice %arg6[%dma_wait3A_70, %dma_wait3A_71] : memref<10240x128xf32, #tpu.memory_space<vmem_shared>> -> memref<10240x128xf32, #tpu.memory_space<vmem_shared>>
        tpu.wait_indirect_dma semaphore(%run_scoped3A : memref<!tpu.dma_semaphore, #tpu.memory_space<semaphore_mem>>) src(%arg9 : memref<128x128xf32, #tpu.memory_space<vmem>>) dst(%dma_wait3A_72 : memref<10240x128xf32, #tpu.memory_space<vmem_shared>>)
        tpu.yield
      }) : () -> ()
    }
    %scan3A_24 = arith.constant 79 : i32
    %barrier3A_25 = arith.constant 0 : index
    tpu.barrier barrier_id(%barrier3A_25)
    "tpu.region"() ({
      %run_scoped3A = tpu.sem_alloc : memref<!tpu.dma_semaphore, #tpu.memory_space<semaphore_mem>>
      %dma_start3A = arith.constant 0 : i32
      %dma_start3A_26 = tpu.memref_slice %arg5[%arg0, %mul3A_8, %dma_start3A] : memref<2x10240x128xf32, #tpu.memory_space<hbm>> -> memref<1x640x128xf32, #tpu.memory_space<hbm>>
      %dma_start3A_27 = tpu.memref_squeeze %dma_start3A_26 : memref<1x640x128xf32, #tpu.memory_space<hbm>> -> memref<640x128xf32, #tpu.memory_space<hbm>>
      %dma_start3A_28 = arith.constant 0 : i32
      %dma_start3A_29 = tpu.memref_slice %arg6[%mul3A_8, %dma_start3A_28] : memref<10240x128xf32, #tpu.memory_space<vmem_shared>> -> memref<640x128xf32, #tpu.memory_space<vmem_shared>>
      tpu.enqueue_dma source(%dma_start3A_29 : memref<640x128xf32, #tpu.memory_space<vmem_shared>>) target(%dma_start3A_27 : memref<640x128xf32, #tpu.memory_space<hbm>>) target_semaphore(%run_scoped3A : memref<!tpu.dma_semaphore, #tpu.memory_space<semaphore_mem>>)
      %dma_wait3A = arith.constant 0 : i32
      %dma_wait3A_30 = tpu.memref_slice %arg5[%arg0, %mul3A_8, %dma_wait3A] : memref<2x10240x128xf32, #tpu.memory_space<hbm>> -> memref<1x640x128xf32, #tpu.memory_space<hbm>>
      %dma_wait3A_31 = tpu.memref_squeeze %dma_wait3A_30 : memref<1x640x128xf32, #tpu.memory_space<hbm>> -> memref<640x128xf32, #tpu.memory_space<hbm>>
      %dma_wait3A_32 = arith.constant 0 : i32
      %dma_wait3A_33 = tpu.memref_slice %arg6[%mul3A_8, %dma_wait3A_32] : memref<10240x128xf32, #tpu.memory_space<vmem_shared>> -> memref<640x128xf32, #tpu.memory_space<vmem_shared>>
      tpu.wait_dma2 semaphore(%run_scoped3A : memref<!tpu.dma_semaphore, #tpu.memory_space<semaphore_mem>>) src(%dma_wait3A_33 : memref<640x128xf32, #tpu.memory_space<vmem_shared>>) dst(%dma_wait3A_31 : memref<640x128xf32, #tpu.memory_space<hbm>>)
      tpu.yield
    }) : () -> ()
    return
  }
}

module attributes {stable_mosaic.version = 14 : i64} {
  func.func @body(%arg0: i32, %arg1: memref<256x128xf32, #tpu.memory_space<vmem>>, %arg2: memref<2x256x128xf32, #tpu.memory_space<vmem>>, %arg3: memref<32x256xf32, #tpu.memory_space<vmem>>, %arg4: memref<128x128xf32, #tpu.memory_space<vmem>>, %arg5: memref<128x128xf32, #tpu.memory_space<vmem>>, %arg6: memref<1x128xf32, #tpu.memory_space<vmem>>, %arg7: memref<256x128xf32, #tpu.memory_space<vmem>>) attributes {dimension_semantics = [#tpu.dimension_semantics<arbitrary>], iteration_bounds = array<i64: 40>, scalar_prefetch = 0 : i64, scratch_operands = 0 : i64, tpu.core_type = #tpu.core_type<tc>, window_params = [{transform_indices = @transform_0, window_bounds = array<i64: 256, 128>}, {transform_indices = @transform_1, window_bounds = array<i64: 2, 256, 128>}, {transform_indices = @transform_2, window_bounds = array<i64: 32, 256>}, {pipeline_mode = #tpu.pipeline_mode<synchronous>, transform_indices = @transform_3, window_bounds = array<i64: 128, 128>}, {pipeline_mode = #tpu.pipeline_mode<synchronous>, transform_indices = @transform_4, window_bounds = array<i64: 128, 128>}, {pipeline_mode = #tpu.pipeline_mode<synchronous>, transform_indices = @transform_5, window_bounds = array<i64: 1, 128>}, {transform_indices = @transform_6, window_bounds = array<i64: 256, 128>}]} {
    %get3A = arith.constant 0 : index
    %get3A_0 = arith.constant 0 : index
    %get3A_1 = arith.constant 0 : index
    %get3A_2 = vector.load %arg2[%get3A, %get3A_0, %get3A_1] : memref<2x256x128xf32, #tpu.memory_space<vmem>>, vector<1x256x128xf32>
    %get3A_3 = vector.shape_cast %get3A_2 : vector<1x256x128xf32> to vector<256x128xf32>
    %get3A_4 = arith.constant 1 : index
    %get3A_5 = arith.constant 0 : index
    %get3A_6 = arith.constant 0 : index
    %get3A_7 = vector.load %arg2[%get3A_4, %get3A_5, %get3A_6] : memref<2x256x128xf32, #tpu.memory_space<vmem>>, vector<1x256x128xf32>
    %get3A_8 = vector.shape_cast %get3A_7 : vector<1x256x128xf32> to vector<256x128xf32>
    %add3A = arith.addf %get3A_3, %get3A_8 : vector<256x128xf32>
    %get3A_9 = arith.constant 0 : index
    %get3A_10 = arith.constant 0 : index
    %get3A_11 = vector.load %arg3[%get3A_9, %get3A_10] : memref<32x256xf32, #tpu.memory_space<vmem>>, vector<32x256xf32>
    %reduce_sum3A = arith.constant dense<0.000000e+00> : vector<256xf32>
    %reduce_sum3A_12 = vector.multi_reduction <add>, %get3A_11, %reduce_sum3A [0] : vector<32x256xf32> to vector<256xf32>
    %max3A = arith.constant 1.000000e+00 : f32
    %max3A_13 = vector.broadcast %max3A : f32 to vector<256xf32>
    %max3A_14 = arith.maximumf %reduce_sum3A_12, %max3A_13 : vector<256xf32>
    %broadcast_in_dim3A = vector.shape_cast %max3A_14 : vector<256xf32> to vector<256x1xf32>
    %div3A = vector.broadcast %broadcast_in_dim3A : vector<256x1xf32> to vector<256x128xf32>
    %div3A_15 = arith.divf %add3A, %div3A : vector<256x128xf32>
    %get3A_16 = arith.constant 0 : index
    %get3A_17 = arith.constant 0 : index
    %get3A_18 = vector.load %arg1[%get3A_16, %get3A_17] : memref<256x128xf32, #tpu.memory_space<vmem>>, vector<256x128xf32>
    %get3A_19 = arith.constant 0 : index
    %get3A_20 = arith.constant 0 : index
    %get3A_21 = vector.load %arg4[%get3A_19, %get3A_20] : memref<128x128xf32, #tpu.memory_space<vmem>>, vector<128x128xf32>
    %dot_general3A = arith.constant dense<0.000000e+00> : vector<256x128xf32>
    %dot_general3A_22 = tpu.matmul %get3A_18, %get3A_21, %dot_general3A {dimension_numbers = #tpu.dot_dimension_numbers<[1], [0], [0], [1], [0, 0, 1, 1], [], []>, transpose_lhs_hint = false} : vector<256x128xf32>, vector<128x128xf32>, vector<256x128xf32> -> vector<256x128xf32>
    %get3A_23 = arith.constant 0 : index
    %get3A_24 = arith.constant 0 : index
    %get3A_25 = vector.load %arg5[%get3A_23, %get3A_24] : memref<128x128xf32, #tpu.memory_space<vmem>>, vector<128x128xf32>
    %dot_general3A_26 = arith.constant dense<0.000000e+00> : vector<256x128xf32>
    %dot_general3A_27 = tpu.matmul %div3A_15, %get3A_25, %dot_general3A_26 {dimension_numbers = #tpu.dot_dimension_numbers<[1], [0], [0], [1], [0, 0, 1, 1], [], []>, transpose_lhs_hint = false} : vector<256x128xf32>, vector<128x128xf32>, vector<256x128xf32> -> vector<256x128xf32>
    %add3A_28 = arith.addf %dot_general3A_22, %dot_general3A_27 : vector<256x128xf32>
    %get3A_29 = arith.constant 0 : index
    %get3A_30 = arith.constant 0 : index
    %get3A_31 = vector.load %arg6[%get3A_29, %get3A_30] : memref<1x128xf32, #tpu.memory_space<vmem>>, vector<1x128xf32>
    %add3A_32 = vector.broadcast %get3A_31 : vector<1x128xf32> to vector<256x128xf32>
    %add3A_33 = arith.addf %add3A_28, %add3A_32 : vector<256x128xf32>
    %swap3A = arith.constant 0 : index
    %swap3A_34 = arith.constant 0 : index
    %swap3A_35 = vector.load %arg7[%swap3A, %swap3A_34] : memref<256x128xf32, #tpu.memory_space<vmem>>, vector<256x128xf32>
    tpu.vector_store %arg7[%swap3A, %swap3A_34], %add3A_33 {strides = array<i32>} : memref<256x128xf32, #tpu.memory_space<vmem>>, vector<256x128xf32>,
    return
  }
  func.func @transform_0(%arg0: i32) -> (i32, i32) {
    %c0_i32 = arith.constant 0 : i32
    %c0_i32_0 = arith.constant 0 : i32
    return %arg0, %c0_i32 : i32, i32
  }
  func.func @transform_1(%arg0: i32) -> (i32, i32, i32) {
    %c0_i32 = arith.constant 0 : i32
    %c0_i32_0 = arith.constant 0 : i32
    %c0_i32_1 = arith.constant 0 : i32
    return %c0_i32, %arg0, %c0_i32_0 : i32, i32, i32
  }
  func.func @transform_2(%arg0: i32) -> (i32, i32) {
    %c0_i32 = arith.constant 0 : i32
    %c0_i32_0 = arith.constant 0 : i32
    return %c0_i32, %arg0 : i32, i32
  }
  func.func @transform_3(%arg0: i32) -> (i32, i32) {
    %c0_i32 = arith.constant 0 : i32
    %c0_i32_0 = arith.constant 0 : i32
    %c0_i32_1 = arith.constant 0 : i32
    return %c0_i32, %c0_i32_0 : i32, i32
  }
  func.func @transform_4(%arg0: i32) -> (i32, i32) {
    %c0_i32 = arith.constant 0 : i32
    %c0_i32_0 = arith.constant 0 : i32
    %c0_i32_1 = arith.constant 0 : i32
    return %c0_i32, %c0_i32_0 : i32, i32
  }
  func.func @transform_5(%arg0: i32) -> (i32, i32) {
    %c0_i32 = arith.constant 0 : i32
    %c0_i32_0 = arith.constant 0 : i32
    %c0_i32_1 = arith.constant 0 : i32
    return %c0_i32, %c0_i32_0 : i32, i32
  }
  func.func @transform_6(%arg0: i32) -> (i32, i32) {
    %c0_i32 = arith.constant 0 : i32
    %c0_i32_0 = arith.constant 0 : i32
    return %arg0, %c0_i32 : i32, i32
  }
}

module attributes {stable_mosaic.version = 14 : i64} {
  func.func @body(%arg0: i32, %arg1: memref<256x128xf32, #tpu.memory_space<vmem>>, %arg2: memref<2x256x128xf32, #tpu.memory_space<vmem>>, %arg3: memref<32x256xf32, #tpu.memory_space<vmem>>, %arg4: memref<128x128xf32, #tpu.memory_space<vmem>>, %arg5: memref<128x128xf32, #tpu.memory_space<vmem>>, %arg6: memref<1x128xf32, #tpu.memory_space<vmem>>, %arg7: memref<256x128xf32, #tpu.memory_space<vmem>>) attributes {dimension_semantics = [#tpu.dimension_semantics<arbitrary>], iteration_bounds = array<i64: 40>, scalar_prefetch = 0 : i64, scratch_operands = 0 : i64, tpu.core_type = #tpu.core_type<tc>, window_params = [{transform_indices = @transform_0, window_bounds = array<i64: 256, 128>}, {transform_indices = @transform_1, window_bounds = array<i64: 2, 256, 128>}, {transform_indices = @transform_2, window_bounds = array<i64: 32, 256>}, {pipeline_mode = #tpu.pipeline_mode<synchronous>, transform_indices = @transform_3, window_bounds = array<i64: 128, 128>}, {pipeline_mode = #tpu.pipeline_mode<synchronous>, transform_indices = @transform_4, window_bounds = array<i64: 128, 128>}, {pipeline_mode = #tpu.pipeline_mode<synchronous>, transform_indices = @transform_5, window_bounds = array<i64: 1, 128>}, {transform_indices = @transform_6, window_bounds = array<i64: 256, 128>}]} {
    %get3A = arith.constant 0 : index
    %get3A_0 = arith.constant 0 : index
    %get3A_1 = arith.constant 0 : index
    %get3A_2 = vector.load %arg2[%get3A, %get3A_0, %get3A_1] : memref<2x256x128xf32, #tpu.memory_space<vmem>>, vector<1x256x128xf32>
    %get3A_3 = vector.shape_cast %get3A_2 : vector<1x256x128xf32> to vector<256x128xf32>
    %get3A_4 = arith.constant 1 : index
    %get3A_5 = arith.constant 0 : index
    %get3A_6 = arith.constant 0 : index
    %get3A_7 = vector.load %arg2[%get3A_4, %get3A_5, %get3A_6] : memref<2x256x128xf32, #tpu.memory_space<vmem>>, vector<1x256x128xf32>
    %get3A_8 = vector.shape_cast %get3A_7 : vector<1x256x128xf32> to vector<256x128xf32>
    %add3A = arith.addf %get3A_3, %get3A_8 : vector<256x128xf32>
    %get3A_9 = arith.constant 0 : index
    %get3A_10 = arith.constant 0 : index
    %get3A_11 = vector.load %arg3[%get3A_9, %get3A_10] : memref<32x256xf32, #tpu.memory_space<vmem>>, vector<32x256xf32>
    %reduce_sum3A = arith.constant dense<0.000000e+00> : vector<256xf32>
    %reduce_sum3A_12 = vector.multi_reduction <add>, %get3A_11, %reduce_sum3A [0] : vector<32x256xf32> to vector<256xf32>
    %max3A = arith.constant 1.000000e+00 : f32
    %max3A_13 = vector.broadcast %max3A : f32 to vector<256xf32>
    %max3A_14 = arith.maximumf %reduce_sum3A_12, %max3A_13 : vector<256xf32>
    %broadcast_in_dim3A = vector.shape_cast %max3A_14 : vector<256xf32> to vector<256x1xf32>
    %div3A = vector.broadcast %broadcast_in_dim3A : vector<256x1xf32> to vector<256x128xf32>
    %div3A_15 = arith.divf %add3A, %div3A : vector<256x128xf32>
    %get3A_16 = arith.constant 0 : index
    %get3A_17 = arith.constant 0 : index
    %get3A_18 = vector.load %arg1[%get3A_16, %get3A_17] : memref<256x128xf32, #tpu.memory_space<vmem>>, vector<256x128xf32>
    %get3A_19 = arith.constant 0 : index
    %get3A_20 = arith.constant 0 : index
    %get3A_21 = vector.load %arg4[%get3A_19, %get3A_20] : memref<128x128xf32, #tpu.memory_space<vmem>>, vector<128x128xf32>
    %dot_general3A = arith.constant dense<0.000000e+00> : vector<256x128xf32>
    %dot_general3A_22 = tpu.matmul %get3A_18, %get3A_21, %dot_general3A {dimension_numbers = #tpu.dot_dimension_numbers<[1], [0], [0], [1], [0, 0, 1, 1], [], []>, transpose_lhs_hint = false} : vector<256x128xf32>, vector<128x128xf32>, vector<256x128xf32> -> vector<256x128xf32>
    %get3A_23 = arith.constant 0 : index
    %get3A_24 = arith.constant 0 : index
    %get3A_25 = vector.load %arg5[%get3A_23, %get3A_24] : memref<128x128xf32, #tpu.memory_space<vmem>>, vector<128x128xf32>
    %dot_general3A_26 = arith.constant dense<0.000000e+00> : vector<256x128xf32>
    %dot_general3A_27 = tpu.matmul %div3A_15, %get3A_25, %dot_general3A_26 {dimension_numbers = #tpu.dot_dimension_numbers<[1], [0], [0], [1], [0, 0, 1, 1], [], []>, transpose_lhs_hint = false} : vector<256x128xf32>, vector<128x128xf32>, vector<256x128xf32> -> vector<256x128xf32>
    %add3A_28 = arith.addf %dot_general3A_22, %dot_general3A_27 : vector<256x128xf32>
    %get3A_29 = arith.constant 0 : index
    %get3A_30 = arith.constant 0 : index
    %get3A_31 = vector.load %arg6[%get3A_29, %get3A_30] : memref<1x128xf32, #tpu.memory_space<vmem>>, vector<1x128xf32>
    %add3A_32 = vector.broadcast %get3A_31 : vector<1x128xf32> to vector<256x128xf32>
    %add3A_33 = arith.addf %add3A_28, %add3A_32 : vector<256x128xf32>
    %max3A_34 = arith.constant 0.000000e+00 : f32
    %max3A_35 = vector.broadcast %max3A_34 : f32 to vector<256x128xf32>
    %max3A_36 = arith.maximumf %add3A_33, %max3A_35 : vector<256x128xf32>
    %swap3A = arith.constant 0 : index
    %swap3A_37 = arith.constant 0 : index
    %swap3A_38 = vector.load %arg7[%swap3A, %swap3A_37] : memref<256x128xf32, #tpu.memory_space<vmem>>, vector<256x128xf32>
    tpu.vector_store %arg7[%swap3A, %swap3A_37], %max3A_36 {strides = array<i32>} : memref<256x128xf32, #tpu.memory_space<vmem>>, vector<256x128xf32>,
    return
  }
  func.func @transform_0(%arg0: i32) -> (i32, i32) {
    %c0_i32 = arith.constant 0 : i32
    %c0_i32_0 = arith.constant 0 : i32
    return %arg0, %c0_i32 : i32, i32
  }
  func.func @transform_1(%arg0: i32) -> (i32, i32, i32) {
    %c0_i32 = arith.constant 0 : i32
    %c0_i32_0 = arith.constant 0 : i32
    %c0_i32_1 = arith.constant 0 : i32
    return %c0_i32, %arg0, %c0_i32_0 : i32, i32, i32
  }
  func.func @transform_2(%arg0: i32) -> (i32, i32) {
    %c0_i32 = arith.constant 0 : i32
    %c0_i32_0 = arith.constant 0 : i32
    return %c0_i32, %arg0 : i32, i32
  }
  func.func @transform_3(%arg0: i32) -> (i32, i32) {
    %c0_i32 = arith.constant 0 : i32
    %c0_i32_0 = arith.constant 0 : i32
    %c0_i32_1 = arith.constant 0 : i32
    return %c0_i32, %c0_i32_0 : i32, i32
  }
  func.func @transform_4(%arg0: i32) -> (i32, i32) {
    %c0_i32 = arith.constant 0 : i32
    %c0_i32_0 = arith.constant 0 : i32
    %c0_i32_1 = arith.constant 0 : i32
    return %c0_i32, %c0_i32_0 : i32, i32
  }
  func.func @transform_5(%arg0: i32) -> (i32, i32) {
    %c0_i32 = arith.constant 0 : i32
    %c0_i32_0 = arith.constant 0 : i32
    %c0_i32_1 = arith.constant 0 : i32
    return %c0_i32, %c0_i32_0 : i32, i32
  }
  func.func @transform_6(%arg0: i32) -> (i32, i32) {
    %c0_i32 = arith.constant 0 : i32
    %c0_i32_0 = arith.constant 0 : i32
    return %arg0, %c0_i32 : i32, i32
  }
}

</mosaic_0001>

<sc_bundles>
// kernel: kernel.6.cloned.1.call-start
scs
__scs_entry_jumppad:
0x0: {  	(pc) =	sbr.rel $0x88, $3  }
0x1: {  	(tag) =	ssettag $0x0;
	lr =	simm.s32 $0x1  }
0x2: {  	[smem:$0x3F99] =	sst lr;
	_ =	strace $0xD0000000  }
0x3: {  	_ = 	snop  }
0x4: {  	_ = 	snop  }
0x5: {  	_ = 	snop  }
0x6: {  	_ = 	snop  }
0x7: {  	_ = 	snop  }
__scs_overlays_trampoline_lowered:
0x8: {  	[smem:$0x3FA8] =	sst s0  }
0x9: {  	[smem:$0x3FA9] =	sst s1  }
0xa: {  	[smem:$0x3FAA] =	sst s2  }
0xb: {  	[smem:$0x3FAB] =	sst s3  }
0xc: {  	[smem:$0x3FAC] =	sst s4  }
0xd: {  	[smem:$0x3FAD] =	sst s5  }
0xe: {  	[smem:$0x3FAE] =	sst s6  }
0xf: {  	[smem:$0x3FAF] =	sst s7  }
0x10: {  	[smem:$0x3FB0] =	sst s8  }
0x11: {  	[smem:$0x3FB1] =	sst s9;
	s0 =	simm.s32 @!p0 $0x0  }
0x12: {  	s1 =	sld [smem:$0x3F97];
	s0 =	simm.s32 @p0 $0x1  }
0x13: {  	[smem:$0x3FB2] =	sst s0;
	s0 =	simm.s32 @!p1 $0x0  }
0x14: {  	s2 =	sld [smem:$0x3F96];
	s0 =	simm.s32 @p1 $0x1  }
0x15: {  	[smem:$0x3FB3] =	sst s0;
	s0 =	simm.s32 @!p2 $0x0  }
0x16: {  	s3 =	sld [smem:$0x3FDB];
	s0 =	simm.s32 @p2 $0x1  }
0x17: {  	s4 =	simm.s32 $0x1BF5;
	[smem:$0x3FB5] =	sst s0  }
0x18: {  	s0 =	sld [smem:$0x3F98];
	_ =	swait.ge [sflag:s4], $0x0  }
0x19: {  	s7 =	sld [smem:$0x3F99]  }
0x1a: {  	s8 =	sadd.s32 $0xFFFFE003, lr  }
0x1b: {  	s9 =	sadd.s32 $0xFFFFFEF7, lr;
	s5 =	simm.s32 $0xFFFFFFFF;
	p2 =	slt.u32 s8, $0xFFFFF086  }
0x1c: {  	p1 =	slt.u32 s9, $0xF7A;
	s5 =	simm.s32 @!p2 $0x0  }
0x1d: {  	s5 =	simm.s32 @p1 $0x1;
	p0 =	seq.s32 s7, s2  }
0x1e: {  	s7 =	smul.u32 @!p0 $0xF7A, s2;
	p2 =	seq.s32 @!p0 s5, $0x0  }
0x1f: {  	s9 =	smul.u32 $0xF7A, s1;
	s8 =	simm.s32 @!p0 $0x1BF5;
	p2 =	por !p2, p0  }
0x20: {  	[sflag:s8] =	ssyncset.s32 @!p0 $0xFFFFF086;
	s6 =	sadd.s32 @!p0 s3, s7;
	s7 =	simm.s32 @!p0 $0x108  }
0x21: {  	s3 =	sadd.s32 s3, s9;
	s6 =	sadd.s32 @!p0 $0x88, s6;
	s7 =	simm.s32 @p2 $0x1082  }
0x22: {  	[simem:s7], [sflag:s8] =	dma.local @!p0 [hbm:s6], $0xF7A  }
0x23: {  	s9 =	sor.u32 $0xD0000000, s2;
	s6 =	simm.s32 $0x108;
	_ =	swait.ge @!p0 [sflag:s8], $0x0  }
0x24: {  	s3 =	sadd.s32 $0x88, s3;
	s6 =	simm.s32 @!p1 $0x1082;
	[sflag:s4] =	ssyncset.s32 $0xFFFFF086  }
0x25: {  	[simem:s6], [sflag:s4] =	dma.local [hbm:s3], $0xF7A  }
0x26: {  	[smem:$0x3F99] =	sst s1;
	(tag) =	ssettag s2;
	_ =	strace s9  }
0x27: {  	s1 =	sld [smem:$0x3FA9]  }
0x28: {  	s2 =	sld [smem:$0x3FAA]  }
0x29: {  	s4 =	sld [smem:$0x3FAC]  }
0x2a: {  	p0 =	seq.s32 s5, $0x0;
	s5 =	sld [smem:$0x3FAD]  }
0x2b: {  	s6 =	sld [smem:$0x3FAE]  }
0x2c: {  	s7 =	sld [smem:$0x3FAF]  }
0x2d: {  	s3 =	simm.s32 $0x108;
	s8 =	sld [smem:$0x3FB0]  }
0x2e: {  	s3 =	simm.s32 @!p0 $0x1082;
	s9 =	sld [smem:$0x3FB1]  }
0x2f: {  	lr =	sadd.s32 s0, s3;
	s0 =	sld [smem:$0x3FA8]  }
0x30: {  	s3 =	sld [smem:$0x3FAB]  }
0x31: {  	[smem:$0x3FB4] =	sst s10  }
0x32: {  	s10 =	sld [smem:$0x3FB2];
	_ =	sdelay $0x3  }
0x33: {  	p0 =	seq.s32 s10, $0x1;
	s10 =	sld [smem:$0x3FB4];
	_ =	sdelay $0x3  }
0x34: {  	[smem:$0x3FB4] =	sst s10  }
0x35: {  	s10 =	sld [smem:$0x3FB3];
	_ =	sdelay $0x3  }
0x36: {  	p1 =	seq.s32 s10, $0x1;
	s10 =	sld [smem:$0x3FB4];
	_ =	sdelay $0x3  }
0x37: {  	[smem:$0x3FB4] =	sst s10  }
0x38: {  	s10 =	sld [smem:$0x3FB5]  }
0x39: {  	_ = 	snop;
	(pc) =	sbr.ind lr, $3  }
0x3a: {  	_ = 	snop  }
0x3b: {  	_ = 	snop  }
0x3c: {  	p2 =	seq.s32 s10, $0x1;
	s10 =	sld [smem:$0x3FB4]  }
0x3d: {  	_ =	shalt  }
0x3e: {  	_ =	shalt  }
0x3f: {  	_ =	shalt  }
0x40: {  	_ =	shalt  }
0x41: {  	_ =	shalt  }
0x42: {  	_ =	shalt  }
0x43: {  	_ =	shalt  }
0x44: {  	_ =	shalt  }
0x45: {  	_ =	shalt  }
0x46: {  	_ =	shalt  }
0x47: {  	_ =	shalt  }
0x48: {  	_ =	shalt  }
0x49: {  	_ =	shalt  }
0x4a: {  	_ =	shalt  }
0x4b: {  	_ =	shalt  }
0x4c: {  	_ =	shalt  }
0x4d: {  	_ =	shalt  }
0x4e: {  	_ =	shalt  }
0x4f: {  	_ =	shalt  }
0x50: {  	_ =	shalt  }
0x51: {  	_ =	shalt  }
0x52: {  	_ =	shalt  }
0x53: {  	_ =	shalt  }
0x54: {  	_ =	shalt  }
0x55: {  	_ =	shalt  }
0x56: {  	_ =	shalt  }
0x57: {  	_ =	shalt  }
0x58: {  	_ =	shalt  }
0x59: {  	_ =	shalt  }
0x5a: {  	_ =	shalt  }
0x5b: {  	_ =	shalt  }
0x5c: {  	_ =	shalt  }
0x5d: {  	_ =	shalt  }
0x5e: {  	_ =	shalt  }
0x5f: {  	_ =	shalt  }
0x60: {  	_ =	shalt  }
0x61: {  	_ =	shalt  }
0x62: {  	_ =	shalt  }
0x63: {  	_ =	shalt  }
0x64: {  	_ =	shalt  }
0x65: {  	_ =	shalt  }
0x66: {  	_ =	shalt  }
0x67: {  	_ =	shalt  }
0x68: {  	_ =	shalt  }
0x69: {  	_ =	shalt  }
0x6a: {  	_ =	shalt  }
0x6b: {  	_ =	shalt  }
0x6c: {  	_ =	shalt  }
0x6d: {  	_ =	shalt  }
0x6e: {  	_ =	shalt  }
0x6f: {  	_ =	shalt  }
0x70: {  	_ =	shalt  }
0x71: {  	_ =	shalt  }
0x72: {  	_ =	shalt  }
0x73: {  	_ =	shalt  }
0x74: {  	_ =	shalt  }
0x75: {  	_ =	shalt  }
0x76: {  	_ =	shalt  }
0x77: {  	_ =	shalt  }
0x78: {  	_ =	shalt  }
0x79: {  	_ =	shalt  }
0x7a: {  	_ =	shalt  }
0x7b: {  	_ =	shalt  }
0x7c: {  	_ =	shalt  }
0x7d: {  	_ =	shalt  }
0x7e: {  	_ =	shalt  }
0x7f: {  	_ =	shalt  }
0x80: {  	_ =	shalt  }
0x81: {  	_ =	shalt  }
0x82: {  	_ =	shalt  }
0x83: {  	_ =	shalt  }
0x84: {  	_ =	shalt  }
0x85: {  	_ =	shalt  }
0x86: {  	_ =	shalt  }
0x87: {  	_ =	shalt  }
.Lfunc_end0:
.L_simem_size_0:
called_computation_lowered:
.L_overlay_start_0:
0x88: {  	s2 =	sld [smem:$0x3FD9]  }
0x89: {  	s3 =	sld [smem:$0x3FFE];
	_ =	sdelay $0x1  }
0x8a: {  	s1 =	srdreg.scid  }
0x8b: {  	s0 =	sand.u32 $0x1, s1  }
0x8c: {  	s17 =	sshll.u32 s0, $0xA;
	s2 =	sadd.s32 s3, s2  }
0x8d: {  	s2 =	sadd.s32 s2, s17  }
0x8e: {  	[smem:$0x3FC0] =	sst s2  }
0x8f: {  	_ = 	snop  }
0x90: {  	s2 =	sld [smem:$0x3FC9];
	(tm) =	ssettm $0x1  }
0x91: {  	s18 =	sld [smem:$0x3FFB];
	_ =	sdelay $0x3  }
0x92: {  	_ =	strace s18  }
0x93: {  	s3 =	sld [smem:$0x3FFC];
	_ =	sdelay $0x3  }
0x94: {  	_ =	strace s3  }
0x95: {  	s3 =	sld [smem:$0x3FFD];
	_ =	sdelay $0x3  }
0x96: {  	_ =	strace s3  }
0x97: {  	_ =	strace $0x8FFFFFFF  }
0x98: {  	s19 =	sld [smem:$0x3FDB];
	_ =	sdelay $0x1  }
0x99: {  	s4 =	simm.s32 $_scs_section_size  }
0x9a: {  	s5 =	simm.s32 $_size__tile_overlayer_lowered;
	s6 =	simm.s32 $_tile_overlayer_lowered  }
0x9b: {  	s22 =	simm.s32 $0x1BFF;
	s21 =	sshll.u32 s6, $0x1;
	s3 =	sadd.s32 s4, s19  }
0x9c: {  	s7 =	simm.s32 $0x0;
	s20 =	sshll.u32 s5, $0x1;
	s5 =	sadd.s32 s21, s3  }
0x9d: {  	[timem:s7], [sflag:s22] =	dma.local [hbm:s5], s20  }
0x9e: {  	_ =	swait.ge [sflag:s22], s20  }
0x9f: {  	s4 =	ssub.s32 $0x0, s20;
	[sflag:s22] =	ssyncset.done $0x0  }
0xa0: {  	[sflag:s22] =	ssyncadd.s32 s4;
	_ =	sdelay $0x1  }
0xa1: {  	s23 =	simm.s32 $0x1B8B  }
0xa2: {  	_ =	swait.ge [sflag:s23], $0x1  }
0xa3: {  	[sflag:s23] =	ssyncset.done $0x0  }
0xa4: {  	s25 =	simm.s32 $0x1B8E;
	s24 =	sld [smem:$0x3FFE];
	[sflag:s23] =	ssyncadd.s32 $0xFFFFFFFF  }
0xa5: {  	s26 =	simm.s32 $execute0_lowered;
	[smem:$0x3FD2] =	sst s25  }
0xa6: {  	s5 =	sshll.u32 s26, $0x1;
	_ =	strace $0x80000046;
	[dreg:$0x1] =	wrdreg $0xFFFFFFFF  }
0xa7: {  	s28 =	simm.s32 $_size_execute0_lowered;
	s3 =	sadd.s32 s3, s5;
	[dreg:$0x0] =	wrdreg $0x0  }
0xa8: {  	s5 =	sshll.u32 s28, $0x1;
	[dreg:$0x2] =	wrdreg s3  }
0xa9: {  	[dreg:$0x3] =	wrdreg s5  }
0xaa: {  	[dreg:$0x4] =	wrdreg $0xC0  }
0xab: {  	_ =	task [dreg:s7], $0x5FFFF  }
0xac: {  	[dreg:$0x1] =	wrdreg $0xFFFFFFFF  }
0xad: {  	[dreg:$0x0] =	wrdreg $0x60  }
0xae: {  	[dreg:$0x2] =	wrdreg s2  }
0xaf: {  	[dreg:$0x3] =	wrdreg s24  }
0xb0: {  	[dreg:$0x4] =	wrdreg $0x0  }
0xb1: {  	[dreg:$0x5] =	wrdreg $0x9  }
0xb2: {  	_ =	task.clear_ibuf [dreg:s7], $0x6FFFF;
	_ =	strace $0x90000046  }
0xb3: {  	s29 =	simm.s32 $0x9;
	_ =	strace $0x80000048  }
0xb4: {  	_ =	swait.ge [sflag:s29], $0x1  }
0xb5: {  	[sflag:s29] =	ssyncadd.s32 $0xFFFFFFFF  }
0xb6: {  	_ =	strace $0x90000048  }
0xb7: {  	_ =	sfence  }
0xb8: {  	s30 =	sld [smem:$0x0];
	_ =	sdelay $0x2  }
0xb9: {  	s31 =	sshll.u32 s1, $0xD;
	s1 =	sshrl.u32 s1, $0x2  }
0xba: {  	s3 =	sand.u32 $0x4000, s31;
	s1 =	sadd.s32 s1, s30  }
0xbb: {  	s0 =	sor.u32 s3, s0;
	s1 =	sshll.u32 s1, $0x11  }
0xbc: {  	s0 =	sor.u32 s1, s0  }
0xbd: {  	s0 =	sadd.s32 $0x8F2B, s0  }
0xbe: {  	[sflag:s0] =	ssyncadd.remote.s32 $0x1  }
0xbf: {  	_ =	sfence.sel $0xFFFF  }
0xc0: {  	[dreg:$0x0] =	wrdreg $0xFFFFFFFF;
	(pc) =	sbr.abs _section_cstart, $3  }
0xc1: {  	[dreg:$0x1] =	wrdreg $0xFFFFFFFF  }
0xc2: {  	_ =	task.clear_ibuf [dreg:s7], $0x2FFFF;
	_ =	strace $0x9FFFFFFF  }
0xc3: {  	(tm) =	ssettm $0x7FFFFFFF  }
tec
execute0_lowered:
.L_overlay_start_1:
0x0: {  	(tag) =	ssettag $0x1  }
0x1: {  	s2 =	rddreg [dreg:$0x0]  }
0x2: {  	s6 =	rddreg [dreg:$0x1];
	s0 =	srdreg.scid  }
0x3: {  	s3 =	rddreg [dreg:$0x2];
	s1 =	stileid.u32;
	s4 =	simm.s32 $0x0  }
0x4: {  	s16 =	simm.s32 $0x2;
	s17 =	simm.s32 $0x14000;
	s18 =	simm.s32 $0x16800  }
0x5: {  	s19 =	simm.s32 $0x40;
	s20 =	simm.s32 $0x1B000;
	s21 =	simm.s32 $0x1D000  }
0x6: {  	s22 =	simm.s32 $0x1;
	s23 =	simm.s32 $0x80;
	s24 =	simm.s32 $0x400  }
0x7: {  	s5 =	sand.u32 $0x1, s0;
	s0 =	rddreg [dreg:$0x3];
	s9 =	smul.u32 $0x14000, s1  }
0x8: {  	s7 =	sshll.u32 s1, $0x1;
	[smem:$0x7FF] =	sst s4;
	s28 =	smul.u32 $0x50000, s1  }
0x9: {  	s11 =	sshrl.u32 s1, $0x2;
	s8 =	smul.u32 $0x140000, s5;
	s7 =	sor.u32 s5, s7  }
0xa: {  	_ =	strace $0x80000047;
	s26 =	smul.u32 $0x14000, s11;
	s29 =	ssub.s32 $0x2, s5  }
0xb: {  	s10 =	smul.u32 $0x500, s7;
	s7 =	sshll.u32 s7, $0x7;
	s30 =	sshrl.u32 s28, $0x2  }
0xc: {  	s31 =	sshrl.u32 s29, $0x1;
	s8 =	sadd.s32 s9, s8;
	s7 =	sand.u32 $0x380, s7  }
0xd: {  	s5 =	sadd.s32 s30, s3;
	s15 =	ssub.s32 s29, s31;
	s8 =	sshrl.u32 s8, $0x3  }
0xe: {  	s12 =	sadd.s32 s10, s6;
	s7 =	sor.u32 s26, s7;
	s9 =	sadd.s32 $0x10000, s5  }
0xf: {  	s13 =	sadd.s32 s8, s6;
	s7 =	sshrl.u32 s7, $0x3;
	s8 =	sadd.s32 $0xC000, s5  }
0x10: {  	s10 =	sadd.s32 $0xC400, s12;
	s11 =	sadd.s32 $0x2400, s12;
	s14 =	sadd.s32 s7, s6  }
0x11: {  	s6 =	sadd.s32 $0x4000, s5;
	s7 =	sadd.s32 $0x8000, s5;
	s12 =	sadd.s32 $0x16400, s13  }
0x12: {  	v0 =	vimm.f32 $0.0e+00;
	s13 =	sadd.s32 $0x66400, s14;
	s14 =	smax.u32 s15, $0x1;
	s15 =	simm.s32 $0x19000  }
.LBB2_1:
0x13: {  	s25 =	simm.s32 $0x0;
	s26 =	simm.s32 $0x200  }
.LBB2_2:
0x14: {  	p0 =	sne.s32 s26, $0xFE00;
	[tilespmem:s25+$0x19070] =	vst v0  }
0x15: {  	[tilespmem:s25+$0x19000] =	vst v0  }
0x16: {  	[tilespmem:s25+$0x19010] =	vst v0  }
.Ltmp0:
0x17: {  	[tilespmem:s25+$0x19020] =	vst v0;
	(pc) =	sbr.rel @p0 .LBB2_2-.Ltmp0, $4  }
0x18: {  	[tilespmem:s25+$0x19030] =	vst v0  }
0x19: {  	[tilespmem:s25+$0x19040] =	vst v0  }
0x1a: {  	[tilespmem:s25+$0x19050] =	vst v0  }
0x1b: {  	[tilespmem:s25+$0x19060] =	vst v0;
	s25 =	sshra.s32 s26, $0x2;
	s26 =	sadd.s32 $0x200, s26  }
0x1c: {  	[tilespmem:s25+$0x19070] =	vst v0  }
0x1d: {  	[tilespmem:s25+$0x19000] =	vst v0  }
0x1e: {  	[tilespmem:s25+$0x19010] =	vst v0  }
0x1f: {  	[tilespmem:s25+$0x19020] =	vst v0  }
0x20: {  	[tilespmem:s25+$0x19030] =	vst v0  }
0x21: {  	[tilespmem:s25+$0x19040] =	vst v0  }
0x22: {  	[tilespmem:s25+$0x19050] =	vst v0  }
0x23: {  	[tilespmem:s25+$0x19060] =	vst v0;
	s25 =	simm.s32 $0x40;
	s26 =	simm.s32 $0x0  }
.LBB2_4:
0x24: {  	p0 =	sne.s32 s25, $0x9FC0;
	[tilespmem:s26+$0x1D000] =	vst v0;
	s26 =	smov.u32 s25;
	s25 =	sadd.s32 $0x40, s25  }
.Ltmp1:
0x25: {  	(pc) =	sbr.rel @p0 .LBB2_4-.Ltmp1, $2  }
0x26: {  	_ =	sdelay $0x2  }
0x27: {  	s26 =	sshra.s32 s26, $0x2  }
0x28: {  	[tilespmem:s26+$0x1D000] =	vst v0  }
0x29: {  	[spmem:s5] =	stream.linear.scatter [tilespmem:s15], [sflag:$0x2], $0x4000, $0x38;
	[tilespmem:$0x1F800] =	vst v63  }
0x2a: {  	_ =	swait.ge [sflag:s16], $0x4000  }
0x2b: {  	[sflag:s16] =	ssyncset.done $0x0  }
0x2c: {  	[sflag:s16] =	ssyncadd.s32 $0xFFFFC000  }
0x2d: {  	[spmem:s6] =	stream.linear.scatter [tilespmem:s15], [sflag:$0x2], $0x4000, $0x38;
	[tilespmem:$0x1F800] =	vst v63  }
0x2e: {  	_ =	swait.ge [sflag:s16], $0x4000  }
0x2f: {  	[sflag:s16] =	ssyncset.done $0x0  }
0x30: {  	[sflag:s16] =	ssyncadd.s32 $0xFFFFC000  }
0x31: {  	[spmem:s7] =	stream.linear.scatter [tilespmem:s15], [sflag:$0x2], $0x4000, $0x38;
	[tilespmem:$0x1F800] =	vst v63  }
0x32: {  	_ =	swait.ge [sflag:s16], $0x4000  }
0x33: {  	[sflag:s16] =	ssyncset.done $0x0  }
0x34: {  	[sflag:s16] =	ssyncadd.s32 $0xFFFFC000  }
0x35: {  	[spmem:s8] =	stream.linear.scatter [tilespmem:s15], [sflag:$0x2], $0x4000, $0x38;
	[tilespmem:$0x1F800] =	vst v63  }
0x36: {  	_ =	swait.ge [sflag:s16], $0x4000  }
0x37: {  	[sflag:s16] =	ssyncset.done $0x0  }
0x38: {  	[sflag:s16] =	ssyncadd.s32 $0xFFFFC000  }
0x39: {  	[spmem:s9] =	stream.linear.scatter [tilespmem:s15], [sflag:$0x2], $0x4000, $0x38;
	[tilespmem:$0x1F800] =	vst v63  }
0x3a: {  	_ =	swait.ge [sflag:s16], $0x4000  }
0x3b: {  	[sflag:s16] =	ssyncset.done $0x0  }
0x3c: {  	s25 =	simm.s32 $0x0;
	[sflag:s16] =	ssyncadd.s32 $0xFFFFC000  }
0x3d: {  	[tilespmem:s17], [sflag:$0x2] =	stream.linear.gather [hbm4b:s10+s25], $0x2780, $0x38;
	[tilespmem:$0x1F800] =	vst v63  }
0x3e: {  	_ =	swait.ge [sflag:s16], $0x2780  }
0x3f: {  	[sflag:s16] =	ssyncset.done $0x0  }
0x40: {  	[sflag:s16] =	ssyncadd.s32 $0xFFFFD880  }
0x41: {  	[tilespmem:s18], [sflag:$0x2] =	stream.linear.gather [hbm4b:s11+s25], $0x2780, $0x38;
	[tilespmem:$0x1F800] =	vst v63  }
0x42: {  	_ =	swait.ge [sflag:s16], $0x2780  }
0x43: {  	[sflag:s16] =	ssyncset.done $0x0  }
0x44: {  	[sflag:s16] =	ssyncadd.s32 $0xFFFFD880  }
0x45: {  	[bflag:$0x0] =	sbarrier.arrive $0xFFFF  }
.LBB2_6:
0x46: {  	s26 =	sshra.s32 s25, $0x2  }
0x47: {  	s28 =	sadd.s32 $0x14000, s26  }
0x48: {  	[tilespmem:s15], [sflag:$0x1] =	stream.indirect.gather [hbm4b:s2+s19], $0x80, s28, s19, $0xb8;
	[tilespmem:$0x1F800] =	vst v63  }
0x49: {  	s31 =	sadd.s32 $0x14040, s26  }
0x4a: {  	[tilespmem:s20], [sflag:$0x1] =	stream.indirect.gather [hbm4b:s2+s19], $0x80, s31, s19, $0xb8;
	[tilespmem:$0x1F800] =	vst v63  }
0x4b: {  	v1 =	vld [tilespmem:s26+$0x16800];
	_ =	sdelay $0x4  }
0x4c: {  	(xrf1) =	vunique.msk.u32 $0xffff, v1;
	_ =	sdelay $0xd  }
0x4d: {  	_, v2, vm0 =	vpop (xrf1);
	_ =	sdelay $0x3  }
0x4e: {  	v2 =	vcvt.s32.f32 v2;
	_ =	sdelay $0x1  }
0x4f: {  	[tilespmem:v1+s21+$0x0] =	vst.idx.add.f32.msk vm0, v2  }
0x50: {  	v1 =	vld [tilespmem:s26+$0x16810];
	_ =	sdelay $0x4  }
0x51: {  	(xrf1) =	vunique.msk.u32 $0xffff, v1;
	_ =	sdelay $0xd  }
0x52: {  	_, v2, vm0 =	vpop (xrf1);
	_ =	sdelay $0x3  }
0x53: {  	v2 =	vcvt.s32.f32 v2;
	_ =	sdelay $0x1  }
0x54: {  	[tilespmem:v1+s21+$0x0] =	vst.idx.add.f32.msk vm0, v2  }
0x55: {  	v1 =	vld [tilespmem:s26+$0x16820];
	_ =	sdelay $0x4  }
0x56: {  	(xrf1) =	vunique.msk.u32 $0xffff, v1;
	_ =	sdelay $0xd  }
0x57: {  	_, v2, vm0 =	vpop (xrf1);
	_ =	sdelay $0x3  }
0x58: {  	v2 =	vcvt.s32.f32 v2;
	_ =	sdelay $0x1  }
0x59: {  	[tilespmem:v1+s21+$0x0] =	vst.idx.add.f32.msk vm0, v2  }
0x5a: {  	v1 =	vld [tilespmem:s26+$0x16830];
	_ =	sdelay $0x4  }
0x5b: {  	(xrf1) =	vunique.msk.u32 $0xffff, v1;
	_ =	sdelay $0xd  }
0x5c: {  	_, v2, vm0 =	vpop (xrf1);
	_ =	sdelay $0x3  }
0x5d: {  	v2 =	vcvt.s32.f32 v2;
	_ =	sdelay $0x1  }
0x5e: {  	[tilespmem:v1+s21+$0x0] =	vst.idx.add.f32.msk vm0, v2  }
0x5f: {  	v1 =	vld [tilespmem:s26+$0x16840];
	_ =	sdelay $0x4  }
0x60: {  	(xrf1) =	vunique.msk.u32 $0xffff, v1;
	_ =	sdelay $0xd  }
0x61: {  	_, v2, vm0 =	vpop (xrf1);
	_ =	sdelay $0x3  }
0x62: {  	v2 =	vcvt.s32.f32 v2;
	_ =	sdelay $0x1  }
0x63: {  	[tilespmem:v1+s21+$0x0] =	vst.idx.add.f32.msk vm0, v2  }
0x64: {  	v1 =	vld [tilespmem:s26+$0x16850];
	_ =	sdelay $0x4  }
0x65: {  	(xrf1) =	vunique.msk.u32 $0xffff, v1;
	_ =	sdelay $0xd  }
0x66: {  	_, v2, vm0 =	vpop (xrf1);
	_ =	sdelay $0x3  }
0x67: {  	v2 =	vcvt.s32.f32 v2;
	_ =	sdelay $0x1  }
0x68: {  	[tilespmem:v1+s21+$0x0] =	vst.idx.add.f32.msk vm0, v2  }
0x69: {  	v1 =	vld [tilespmem:s26+$0x16860];
	_ =	sdelay $0x4  }
0x6a: {  	(xrf1) =	vunique.msk.u32 $0xffff, v1;
	_ =	sdelay $0xd  }
0x6b: {  	_, v2, vm0 =	vpop (xrf1);
	_ =	sdelay $0x3  }
0x6c: {  	v2 =	vcvt.s32.f32 v2;
	_ =	sdelay $0x1  }
0x6d: {  	[tilespmem:v1+s21+$0x0] =	vst.idx.add.f32.msk vm0, v2  }
0x6e: {  	v1 =	vld [tilespmem:s26+$0x16870];
	_ =	sdelay $0x4  }
0x6f: {  	(xrf1) =	vunique.msk.u32 $0xffff, v1;
	_ =	sdelay $0xd  }
0x70: {  	_, v2, vm0 =	vpop (xrf1);
	_ =	sdelay $0x3  }
0x71: {  	v2 =	vcvt.s32.f32 v2;
	_ =	sdelay $0x1  }
0x72: {  	[tilespmem:v1+s21+$0x0] =	vst.idx.add.f32.msk vm0, v2  }
0x73: {  	_ =	swait.ge [sflag:s22], $0x2000  }
0x74: {  	[sflag:s22] =	ssyncset.done $0x0  }
0x75: {  	[sflag:s22] =	ssyncadd.s32 $0xFFFFE000  }
0x76: {  	_ =	swait.ge [sflag:s22], $0x2000  }
0x77: {  	p0 =	sne.s32 s25, $0x9C00;
	[sflag:s22] =	ssyncset.done $0x0  }
.Ltmp2:
0x78: {  	s26 =	sadd.s32 $0x16800, s26;
	[sflag:s22] =	ssyncadd.s32 $0xFFFFE000;
	(pc) =	sbr.rel @p0 .LBB2_6-.Ltmp2, $4  }
0x79: {  	[spmem:s3] =	stream.indirect.scatter.add.f32 [tilespmem:s15], [sflag:$0x2], $0x80, s26, s23, $0xb8;
	[tilespmem:$0x1F800] =	vst v63  }
0x7a: {  	_ =	swait.ge [sflag:s16], $0x4000  }
0x7b: {  	[sflag:s16] =	ssyncset.done $0x0  }
0x7c: {  	s25 =	sadd.s32 $0x200, s25;
	[sflag:s16] =	ssyncadd.s32 $0xFFFFC000  }
0x7d: {  	s25 =	sshll.u32 s1, $0x6  }
0x7e: {  	[bflag:$0x0] =	sbarrier.arrive $0xFFFF;
	s26 =	sshrl.u32 s5, $0x3;
	s25 =	sor.u32 $0x1C02, s25  }
0x7f: {  	[hbm:s12], [sflag:s25] =	dma.local [spmem:s26], $0x2800  }
0x80: {  	s4 =	sadd.s32 $0x1, s4;
	_ =	swait.ge [sflag:s16], $0x2800  }
0x81: {  	p0 =	sne.s32 s4, s14;
	[sflag:s16] =	ssyncset.done $0x0  }
.Ltmp3:
0x82: {  	[sflag:s16] =	ssyncadd.s32 $0xFFFFD800;
	(pc) =	sbr.rel @p0 .LBB2_1-.Ltmp3, $4  }
0x83: {  	[hbm4b:s13+s23] =	stream.strided.scatter [tilespmem:s21], [sflag:$0x2], $0x2800, s24, s23, $0x38;
	[tilespmem:$0x1F800] =	vst v63  }
0x84: {  	_ =	swait.ge [sflag:s16], $0x2800  }
0x85: {  	[sflag:s16] =	ssyncset.done $0x0  }
0x86: {  	[sflag:s16] =	ssyncadd.s32 $0xFFFFD800  }
0x87: {  	_ =	sfence.sel $0x180000  }
0x88: {  	[bflag:$0x0] =	sbarrier.arrive $0xFFFF  }
0x89: {  	p0 =	sne.s32 s1, $0x0;
	_ =	strace $0x90000047  }
0x8a: {  	s0 =	sadd.s32 @!p0 $0x100000, s0;
	[bflag:$0x2] =	sbarrier.arrive $0xFFFF  }
0x8b: {  	[sflag:s0] =	ssyncadd.tile.s32 @!p0 $0x1;
	_ =	shalt  }
.Lfunc_end2:
_tile_overlayer_lowered:
.L_overlay_start_2:
0x8c: {  	(tag) =	ssettag $0x2  }
0x8d: {  	s0 =	rddreg [dreg:$0x0];
	s2 =	stileid.u32  }
0x8e: {  	s1 =	rddreg [dreg:$0x1];
	p0 =	sne.s32 s2, $0x0  }
0x8f: {  	s3 =	rddreg [dreg:$0x2];
	[bflag:$0x3] =	sbarrier.arrive $0xFFFF;
	s2 =	simm.s32 @!p0 $0x1C02  }
0x90: {  	[timem:s3], [sflag:s2] =	dma.local @!p0 [hbm:s0], s1  }
0x91: {  	s0 =	simm.s32 @!p0 $0x2  }
0x92: {  	_ =	swait.ge @!p0 [sflag:s0], s1  }
0x93: {  	s1 =	ssub.s32 @!p0 $0x0, s1;
	[sflag:s0] =	ssyncset.done @!p0 $0x0  }
0x94: {  	[sflag:s0] =	ssyncadd.s32 @!p0 s1  }
0x95: {  	[bflag:$0x3] =	sbarrier.arrive $0xFFFF  }
0x96: {  	_ =	shalt  }

// kernel: kernel.9.cloned.1.call-start
scs
__scs_entry_jumppad:
0x0: {  	(pc) =	sbr.rel $0x88, $3  }
0x1: {  	(tag) =	ssettag $0x0;
	lr =	simm.s32 $0x1  }
0x2: {  	[smem:$0x3F99] =	sst lr;
	_ =	strace $0xD0000000  }
0x3: {  	_ = 	snop  }
0x4: {  	_ = 	snop  }
0x5: {  	_ = 	snop  }
0x6: {  	_ = 	snop  }
0x7: {  	_ = 	snop  }
__scs_overlays_trampoline_lowered:
0x8: {  	[smem:$0x3FA8] =	sst s0  }
0x9: {  	[smem:$0x3FA9] =	sst s1  }
0xa: {  	[smem:$0x3FAA] =	sst s2  }
0xb: {  	[smem:$0x3FAB] =	sst s3  }
0xc: {  	[smem:$0x3FAC] =	sst s4  }
0xd: {  	[smem:$0x3FAD] =	sst s5  }
0xe: {  	[smem:$0x3FAE] =	sst s6  }
0xf: {  	[smem:$0x3FAF] =	sst s7  }
0x10: {  	[smem:$0x3FB0] =	sst s8  }
0x11: {  	[smem:$0x3FB1] =	sst s9;
	s0 =	simm.s32 @!p0 $0x0  }
0x12: {  	s1 =	sld [smem:$0x3F97];
	s0 =	simm.s32 @p0 $0x1  }
0x13: {  	[smem:$0x3FB2] =	sst s0;
	s0 =	simm.s32 @!p1 $0x0  }
0x14: {  	s2 =	sld [smem:$0x3F96];
	s0 =	simm.s32 @p1 $0x1  }
0x15: {  	[smem:$0x3FB3] =	sst s0;
	s0 =	simm.s32 @!p2 $0x0  }
0x16: {  	s3 =	sld [smem:$0x3FDB];
	s0 =	simm.s32 @p2 $0x1  }
0x17: {  	s4 =	simm.s32 $0x1BF5;
	[smem:$0x3FB5] =	sst s0  }
0x18: {  	s0 =	sld [smem:$0x3F98];
	_ =	swait.ge [sflag:s4], $0x0  }
0x19: {  	s7 =	sld [smem:$0x3F99]  }
0x1a: {  	s8 =	sadd.s32 $0xFFFFE003, lr  }
0x1b: {  	s9 =	sadd.s32 $0xFFFFFEF7, lr;
	s5 =	simm.s32 $0xFFFFFFFF;
	p2 =	slt.u32 s8, $0xFFFFF086  }
0x1c: {  	p1 =	slt.u32 s9, $0xF7A;
	s5 =	simm.s32 @!p2 $0x0  }
0x1d: {  	s5 =	simm.s32 @p1 $0x1;
	p0 =	seq.s32 s7, s2  }
0x1e: {  	s7 =	smul.u32 @!p0 $0xF7A, s2;
	p2 =	seq.s32 @!p0 s5, $0x0  }
0x1f: {  	s9 =	smul.u32 $0xF7A, s1;
	s8 =	simm.s32 @!p0 $0x1BF5;
	p2 =	por !p2, p0  }
0x20: {  	[sflag:s8] =	ssyncset.s32 @!p0 $0xFFFFF086;
	s6 =	sadd.s32 @!p0 s3, s7;
	s7 =	simm.s32 @!p0 $0x108  }
0x21: {  	s3 =	sadd.s32 s3, s9;
	s6 =	sadd.s32 @!p0 $0x88, s6;
	s7 =	simm.s32 @p2 $0x1082  }
0x22: {  	[simem:s7], [sflag:s8] =	dma.local @!p0 [hbm:s6], $0xF7A  }
0x23: {  	s9 =	sor.u32 $0xD0000000, s2;
	s6 =	simm.s32 $0x108;
	_ =	swait.ge @!p0 [sflag:s8], $0x0  }
0x24: {  	s3 =	sadd.s32 $0x88, s3;
	s6 =	simm.s32 @!p1 $0x1082;
	[sflag:s4] =	ssyncset.s32 $0xFFFFF086  }
0x25: {  	[simem:s6], [sflag:s4] =	dma.local [hbm:s3], $0xF7A  }
0x26: {  	[smem:$0x3F99] =	sst s1;
	(tag) =	ssettag s2;
	_ =	strace s9  }
0x27: {  	s1 =	sld [smem:$0x3FA9]  }
0x28: {  	s2 =	sld [smem:$0x3FAA]  }
0x29: {  	s4 =	sld [smem:$0x3FAC]  }
0x2a: {  	p0 =	seq.s32 s5, $0x0;
	s5 =	sld [smem:$0x3FAD]  }
0x2b: {  	s6 =	sld [smem:$0x3FAE]  }
0x2c: {  	s7 =	sld [smem:$0x3FAF]  }
0x2d: {  	s3 =	simm.s32 $0x108;
	s8 =	sld [smem:$0x3FB0]  }
0x2e: {  	s3 =	simm.s32 @!p0 $0x1082;
	s9 =	sld [smem:$0x3FB1]  }
0x2f: {  	lr =	sadd.s32 s0, s3;
	s0 =	sld [smem:$0x3FA8]  }
0x30: {  	s3 =	sld [smem:$0x3FAB]  }
0x31: {  	[smem:$0x3FB4] =	sst s10  }
0x32: {  	s10 =	sld [smem:$0x3FB2];
	_ =	sdelay $0x3  }
0x33: {  	p0 =	seq.s32 s10, $0x1;
	s10 =	sld [smem:$0x3FB4];
	_ =	sdelay $0x3  }
0x34: {  	[smem:$0x3FB4] =	sst s10  }
0x35: {  	s10 =	sld [smem:$0x3FB3];
	_ =	sdelay $0x3  }
0x36: {  	p1 =	seq.s32 s10, $0x1;
	s10 =	sld [smem:$0x3FB4];
	_ =	sdelay $0x3  }
0x37: {  	[smem:$0x3FB4] =	sst s10  }
0x38: {  	s10 =	sld [smem:$0x3FB5]  }
0x39: {  	_ = 	snop;
	(pc) =	sbr.ind lr, $3  }
0x3a: {  	_ = 	snop  }
0x3b: {  	_ = 	snop  }
0x3c: {  	p2 =	seq.s32 s10, $0x1;
	s10 =	sld [smem:$0x3FB4]  }
0x3d: {  	_ =	shalt  }
0x3e: {  	_ =	shalt  }
0x3f: {  	_ =	shalt  }
0x40: {  	_ =	shalt  }
0x41: {  	_ =	shalt  }
0x42: {  	_ =	shalt  }
0x43: {  	_ =	shalt  }
0x44: {  	_ =	shalt  }
0x45: {  	_ =	shalt  }
0x46: {  	_ =	shalt  }
0x47: {  	_ =	shalt  }
0x48: {  	_ =	shalt  }
0x49: {  	_ =	shalt  }
0x4a: {  	_ =	shalt  }
0x4b: {  	_ =	shalt  }
0x4c: {  	_ =	shalt  }
0x4d: {  	_ =	shalt  }
0x4e: {  	_ =	shalt  }
0x4f: {  	_ =	shalt  }
0x50: {  	_ =	shalt  }
0x51: {  	_ =	shalt  }
0x52: {  	_ =	shalt  }
0x53: {  	_ =	shalt  }
0x54: {  	_ =	shalt  }
0x55: {  	_ =	shalt  }
0x56: {  	_ =	shalt  }
0x57: {  	_ =	shalt  }
0x58: {  	_ =	shalt  }
0x59: {  	_ =	shalt  }
0x5a: {  	_ =	shalt  }
0x5b: {  	_ =	shalt  }
0x5c: {  	_ =	shalt  }
0x5d: {  	_ =	shalt  }
0x5e: {  	_ =	shalt  }
0x5f: {  	_ =	shalt  }
0x60: {  	_ =	shalt  }
0x61: {  	_ =	shalt  }
0x62: {  	_ =	shalt  }
0x63: {  	_ =	shalt  }
0x64: {  	_ =	shalt  }
0x65: {  	_ =	shalt  }
0x66: {  	_ =	shalt  }
0x67: {  	_ =	shalt  }
0x68: {  	_ =	shalt  }
0x69: {  	_ =	shalt  }
0x6a: {  	_ =	shalt  }
0x6b: {  	_ =	shalt  }
0x6c: {  	_ =	shalt  }
0x6d: {  	_ =	shalt  }
0x6e: {  	_ =	shalt  }
0x6f: {  	_ =	shalt  }
0x70: {  	_ =	shalt  }
0x71: {  	_ =	shalt  }
0x72: {  	_ =	shalt  }
0x73: {  	_ =	shalt  }
0x74: {  	_ =	shalt  }
0x75: {  	_ =	shalt  }
0x76: {  	_ =	shalt  }
0x77: {  	_ =	shalt  }
0x78: {  	_ =	shalt  }
0x79: {  	_ =	shalt  }
0x7a: {  	_ =	shalt  }
0x7b: {  	_ =	shalt  }
0x7c: {  	_ =	shalt  }
0x7d: {  	_ =	shalt  }
0x7e: {  	_ =	shalt  }
0x7f: {  	_ =	shalt  }
0x80: {  	_ =	shalt  }
0x81: {  	_ =	shalt  }
0x82: {  	_ =	shalt  }
0x83: {  	_ =	shalt  }
0x84: {  	_ =	shalt  }
0x85: {  	_ =	shalt  }
0x86: {  	_ =	shalt  }
0x87: {  	_ =	shalt  }
.Lfunc_end0:
.L_simem_size_0:
called_computation.1_lowered:
.L_overlay_start_0:
0x88: {  	s2 =	sld [smem:$0x3FD9]  }
0x89: {  	s3 =	sld [smem:$0x3FFE];
	_ =	sdelay $0x1  }
0x8a: {  	s1 =	srdreg.scid  }
0x8b: {  	s0 =	sand.u32 $0x1, s1  }
0x8c: {  	s17 =	sshll.u32 s0, $0xA;
	s2 =	sadd.s32 s3, s2  }
0x8d: {  	s2 =	sadd.s32 s2, s17  }
0x8e: {  	[smem:$0x3FC0] =	sst s2  }
0x8f: {  	_ = 	snop  }
0x90: {  	s2 =	sld [smem:$0x3FD0];
	(tm) =	ssettm $0x1  }
0x91: {  	s18 =	sld [smem:$0x3FFB];
	_ =	sdelay $0x3  }
0x92: {  	_ =	strace s18  }
0x93: {  	s3 =	sld [smem:$0x3FFC];
	_ =	sdelay $0x3  }
0x94: {  	_ =	strace s3  }
0x95: {  	s3 =	sld [smem:$0x3FFD];
	_ =	sdelay $0x3  }
0x96: {  	_ =	strace s3  }
0x97: {  	_ =	strace $0x8FFFFFFF  }
0x98: {  	s19 =	sld [smem:$0x3FDB];
	_ =	sdelay $0x1  }
0x99: {  	s4 =	simm.s32 $_scs_section_size  }
0x9a: {  	s5 =	simm.s32 $_size__tile_overlayer_lowered;
	s6 =	simm.s32 $_tile_overlayer_lowered  }
0x9b: {  	s22 =	simm.s32 $0x1BFF;
	s21 =	sshll.u32 s6, $0x1;
	s3 =	sadd.s32 s4, s19  }
0x9c: {  	s7 =	simm.s32 $0x0;
	s20 =	sshll.u32 s5, $0x1;
	s5 =	sadd.s32 s21, s3  }
0x9d: {  	[timem:s7], [sflag:s22] =	dma.local [hbm:s5], s20  }
0x9e: {  	_ =	swait.ge [sflag:s22], s20  }
0x9f: {  	s4 =	ssub.s32 $0x0, s20;
	[sflag:s22] =	ssyncset.done $0x0  }
0xa0: {  	[sflag:s22] =	ssyncadd.s32 s4;
	_ =	sdelay $0x1  }
0xa1: {  	s23 =	simm.s32 $0x1B8B  }
0xa2: {  	_ =	swait.ge [sflag:s23], $0x1  }
0xa3: {  	[sflag:s23] =	ssyncset.done $0x0  }
0xa4: {  	s25 =	simm.s32 $0x1B8E;
	s24 =	sld [smem:$0x3FFE];
	[sflag:s23] =	ssyncadd.s32 $0xFFFFFFFF  }
0xa5: {  	s26 =	simm.s32 $execute0_lowered;
	[smem:$0x3FD2] =	sst s25  }
0xa6: {  	s5 =	sshll.u32 s26, $0x1;
	_ =	strace $0x80000049;
	[dreg:$0x1] =	wrdreg $0xFFFFFFFF  }
0xa7: {  	s28 =	simm.s32 $_size_execute0_lowered;
	s3 =	sadd.s32 s3, s5;
	[dreg:$0x0] =	wrdreg $0x0  }
0xa8: {  	s5 =	sshll.u32 s28, $0x1;
	[dreg:$0x2] =	wrdreg s3  }
0xa9: {  	[dreg:$0x3] =	wrdreg s5  }
0xaa: {  	[dreg:$0x4] =	wrdreg $0xC0  }
0xab: {  	_ =	task [dreg:s7], $0x5FFFF  }
0xac: {  	[dreg:$0x1] =	wrdreg $0xFFFFFFFF  }
0xad: {  	[dreg:$0x0] =	wrdreg $0x60  }
0xae: {  	[dreg:$0x2] =	wrdreg s2  }
0xaf: {  	[dreg:$0x3] =	wrdreg s24  }
0xb0: {  	[dreg:$0x4] =	wrdreg $0x0  }
0xb1: {  	[dreg:$0x5] =	wrdreg $0x9  }
0xb2: {  	_ =	task.clear_ibuf [dreg:s7], $0x6FFFF;
	_ =	strace $0x90000049  }
0xb3: {  	s29 =	simm.s32 $0x9;
	_ =	strace $0x8000004B  }
0xb4: {  	_ =	swait.ge [sflag:s29], $0x1  }
0xb5: {  	[sflag:s29] =	ssyncadd.s32 $0xFFFFFFFF  }
0xb6: {  	_ =	strace $0x9000004B  }
0xb7: {  	_ =	sfence  }
0xb8: {  	s30 =	sld [smem:$0x0];
	_ =	sdelay $0x2  }
0xb9: {  	s31 =	sshll.u32 s1, $0xD;
	s1 =	sshrl.u32 s1, $0x2  }
0xba: {  	s3 =	sand.u32 $0x4000, s31;
	s1 =	sadd.s32 s1, s30  }
0xbb: {  	s0 =	sor.u32 s3, s0;
	s1 =	sshll.u32 s1, $0x11  }
0xbc: {  	s0 =	sor.u32 s1, s0  }
0xbd: {  	s0 =	sadd.s32 $0x8F2B, s0  }
0xbe: {  	[sflag:s0] =	ssyncadd.remote.s32 $0x1  }
0xbf: {  	_ =	sfence.sel $0xFFFF  }
0xc0: {  	[dreg:$0x0] =	wrdreg $0xFFFFFFFF;
	(pc) =	sbr.abs _section_cstart, $3  }
0xc1: {  	[dreg:$0x1] =	wrdreg $0xFFFFFFFF  }
0xc2: {  	_ =	task.clear_ibuf [dreg:s7], $0x2FFFF;
	_ =	strace $0x9FFFFFFF  }
0xc3: {  	(tm) =	ssettm $0x7FFFFFFF  }
tec
execute0_lowered:
.L_overlay_start_1:
0x0: {  	(tag) =	ssettag $0x1  }
0x1: {  	s2 =	rddreg [dreg:$0x0]  }
0x2: {  	s1 =	srdreg.scid;
	s6 =	rddreg [dreg:$0x1]  }
0x3: {  	s0 =	stileid.u32;
	s3 =	rddreg [dreg:$0x2]  }
0x4: {  	s4 =	simm.s32 $0x0;
	s14 =	simm.s32 $0x19000;
	s15 =	simm.s32 $0x2  }
0x5: {  	s16 =	simm.s32 $0x14000;
	s17 =	simm.s32 $0x16800;
	s18 =	simm.s32 $0x40  }
0x6: {  	s19 =	simm.s32 $0x1B000;
	s20 =	simm.s32 $0x1;
	s9 =	smul.u32 $0x14000, s0  }
0x7: {  	s5 =	sand.u32 $0x1, s1;
	s26 =	sshll.u32 s0, $0x1;
	s10 =	smul.u32 $0x50000, s0  }
0x8: {  	s21 =	simm.s32 $0x80;
	s1 =	sor.u32 s5, s26;
	s8 =	smul.u32 $0x140000, s5  }
0x9: {  	[smem:$0x7FF] =	sst s4;
	s29 =	ssub.s32 $0x2, s5;
	s7 =	smul.u32 $0x500, s1  }
0xa: {  	s1 =	rddreg [dreg:$0x3];
	_ =	strace $0x8000004A;
	s30 =	sshrl.u32 s10, $0x2  }
0xb: {  	s31 =	sshrl.u32 s29, $0x1;
	s28 =	sadd.s32 s9, s8;
	s5 =	sadd.s32 s30, s3  }
0xc: {  	s13 =	ssub.s32 s29, s31;
	s11 =	sadd.s32 s7, s6;
	s7 =	sshrl.u32 s28, $0x3  }
0xd: {  	s8 =	sadd.s32 $0xC000, s5;
	s9 =	sadd.s32 $0x10000, s5;
	s13 =	smax.u32 s13, $0x1  }
0xe: {  	s12 =	sadd.s32 s7, s6;
	s6 =	sadd.s32 $0x4000, s5;
	s7 =	sadd.s32 $0x8000, s5  }
0xf: {  	v0 =	vimm.f32 $0.0e+00;
	s10 =	sadd.s32 $0xC400, s11;
	s11 =	sadd.s32 $0x2400, s11;
	s12 =	sadd.s32 $0x16400, s12  }
.LBB2_1:
0x10: {  	s22 =	simm.s32 $0x0;
	s23 =	simm.s32 $0x200  }
.LBB2_2:
0x11: {  	p0 =	sne.s32 s23, $0xFE00;
	[tilespmem:s22+$0x19070] =	vst v0  }
0x12: {  	[tilespmem:s22+$0x19000] =	vst v0  }
0x13: {  	[tilespmem:s22+$0x19010] =	vst v0  }
.Ltmp0:
0x14: {  	[tilespmem:s22+$0x19020] =	vst v0;
	(pc) =	sbr.rel @p0 .LBB2_2-.Ltmp0, $4  }
0x15: {  	[tilespmem:s22+$0x19030] =	vst v0  }
0x16: {  	[tilespmem:s22+$0x19040] =	vst v0  }
0x17: {  	[tilespmem:s22+$0x19050] =	vst v0  }
0x18: {  	[tilespmem:s22+$0x19060] =	vst v0;
	s22 =	sshra.s32 s23, $0x2;
	s23 =	sadd.s32 $0x200, s23  }
0x19: {  	[tilespmem:s22+$0x19070] =	vst v0  }
0x1a: {  	[tilespmem:s22+$0x19000] =	vst v0  }
0x1b: {  	[tilespmem:s22+$0x19010] =	vst v0  }
0x1c: {  	[tilespmem:s22+$0x19020] =	vst v0  }
0x1d: {  	[tilespmem:s22+$0x19030] =	vst v0  }
0x1e: {  	[tilespmem:s22+$0x19040] =	vst v0  }
0x1f: {  	[tilespmem:s22+$0x19050] =	vst v0  }
0x20: {  	[tilespmem:s22+$0x19060] =	vst v0  }
0x21: {  	[spmem:s5] =	stream.linear.scatter [tilespmem:s14], [sflag:$0x2], $0x4000, $0x38;
	[tilespmem:$0x1D000] =	vst v63  }
0x22: {  	_ =	swait.ge [sflag:s15], $0x4000  }
0x23: {  	[sflag:s15] =	ssyncset.done $0x0  }
0x24: {  	[sflag:s15] =	ssyncadd.s32 $0xFFFFC000  }
0x25: {  	[spmem:s6] =	stream.linear.scatter [tilespmem:s14], [sflag:$0x2], $0x4000, $0x38;
	[tilespmem:$0x1D000] =	vst v63  }
0x26: {  	_ =	swait.ge [sflag:s15], $0x4000  }
0x27: {  	[sflag:s15] =	ssyncset.done $0x0  }
0x28: {  	[sflag:s15] =	ssyncadd.s32 $0xFFFFC000  }
0x29: {  	[spmem:s7] =	stream.linear.scatter [tilespmem:s14], [sflag:$0x2], $0x4000, $0x38;
	[tilespmem:$0x1D000] =	vst v63  }
0x2a: {  	_ =	swait.ge [sflag:s15], $0x4000  }
0x2b: {  	[sflag:s15] =	ssyncset.done $0x0  }
0x2c: {  	[sflag:s15] =	ssyncadd.s32 $0xFFFFC000  }
0x2d: {  	[spmem:s8] =	stream.linear.scatter [tilespmem:s14], [sflag:$0x2], $0x4000, $0x38;
	[tilespmem:$0x1D000] =	vst v63  }
0x2e: {  	_ =	swait.ge [sflag:s15], $0x4000  }
0x2f: {  	[sflag:s15] =	ssyncset.done $0x0  }
0x30: {  	[sflag:s15] =	ssyncadd.s32 $0xFFFFC000  }
0x31: {  	[spmem:s9] =	stream.linear.scatter [tilespmem:s14], [sflag:$0x2], $0x4000, $0x38;
	[tilespmem:$0x1D000] =	vst v63  }
0x32: {  	_ =	swait.ge [sflag:s15], $0x4000  }
0x33: {  	[sflag:s15] =	ssyncset.done $0x0  }
0x34: {  	s28 =	simm.s32 $0x0;
	[sflag:s15] =	ssyncadd.s32 $0xFFFFC000  }
0x35: {  	[tilespmem:s16], [sflag:$0x2] =	stream.linear.gather [hbm4b:s10+s28], $0x2780, $0x38;
	[tilespmem:$0x1D000] =	vst v63  }
0x36: {  	_ =	swait.ge [sflag:s15], $0x2780  }
0x37: {  	[sflag:s15] =	ssyncset.done $0x0  }
0x38: {  	[sflag:s15] =	ssyncadd.s32 $0xFFFFD880  }
0x39: {  	[tilespmem:s17], [sflag:$0x2] =	stream.linear.gather [hbm4b:s11+s28], $0x2780, $0x38;
	[tilespmem:$0x1D000] =	vst v63  }
0x3a: {  	_ =	swait.ge [sflag:s15], $0x2780  }
0x3b: {  	[sflag:s15] =	ssyncset.done $0x0  }
0x3c: {  	[sflag:s15] =	ssyncadd.s32 $0xFFFFD880  }
0x3d: {  	s29 =	simm.s32 $0x14000;
	[bflag:$0x0] =	sbarrier.arrive $0xFFFF  }
0x3e: {  	[tilespmem:s14], [sflag:$0x1] =	stream.indirect.gather [hbm4b:s2+s18], $0x80, s29, s18, $0xb8;
	[tilespmem:$0x1D000] =	vst v63  }
0x3f: {  	s30 =	simm.s32 $0x14040  }
0x40: {  	[tilespmem:s19], [sflag:$0x1] =	stream.indirect.gather [hbm4b:s2+s18], $0x80, s30, s18, $0xb8;
	[tilespmem:$0x1D000] =	vst v63  }
0x41: {  	_ =	swait.ge [sflag:s20], $0x2000  }
0x42: {  	[sflag:s20] =	ssyncset.done $0x0  }
0x43: {  	[sflag:s20] =	ssyncadd.s32 $0xFFFFE000  }
0x44: {  	_ =	swait.ge [sflag:s20], $0x2000  }
0x45: {  	[sflag:s20] =	ssyncset.done $0x0  }
0x46: {  	s31 =	simm.s32 $0x16800;
	[sflag:s20] =	ssyncadd.s32 $0xFFFFE000  }
0x47: {  	[spmem:s3] =	stream.indirect.scatter.add.f32 [tilespmem:s14], [sflag:$0x2], $0x80, s31, s21, $0xb8;
	[tilespmem:$0x1D000] =	vst v63  }
0x48: {  	_ =	swait.ge [sflag:s15], $0x4000  }
0x49: {  	s23 =	simm.s32 $0x400;
	s22 =	simm.s32 $0x80;
	[sflag:s15] =	ssyncset.done $0x0  }
.LBB2_4:
0x4a: {  	s24 =	sadd.s32 $0x14000, s22  }
0x4b: {  	[sflag:s15] =	ssyncadd.s32 $0xFFFFC000;
	s25 =	smov.u32 s23;
	s26 =	sadd.s32 $0x200, s23  }
0x4c: {  	[tilespmem:s14], [sflag:$0x1] =	stream.indirect.gather [hbm4b:s2+s18], $0x80, s24, s18, $0xb8;
	[tilespmem:$0x1D000] =	vst v63  }
0x4d: {  	p0 =	sne.s32 s23, $0x9C00;
	s23 =	sadd.s32 $0x14040, s22  }
0x4e: {  	[tilespmem:s19], [sflag:$0x1] =	stream.indirect.gather [hbm4b:s2+s18], $0x80, s23, s18, $0xb8;
	[tilespmem:$0x1D000] =	vst v63  }
0x4f: {  	_ =	swait.ge [sflag:s20], $0x2000  }
0x50: {  	[sflag:s20] =	ssyncset.done $0x0  }
0x51: {  	[sflag:s20] =	ssyncadd.s32 $0xFFFFE000  }
0x52: {  	_ =	swait.ge [sflag:s20], $0x2000  }
.Ltmp1:
0x53: {  	[sflag:s20] =	ssyncset.done $0x0;
	(pc) =	sbr.rel @p0 .LBB2_4-.Ltmp1, $4  }
0x54: {  	s22 =	sadd.s32 $0x16800, s22;
	[sflag:s20] =	ssyncadd.s32 $0xFFFFE000  }
0x55: {  	[spmem:s3] =	stream.indirect.scatter.add.f32 [tilespmem:s14], [sflag:$0x2], $0x80, s22, s21, $0xb8;
	[tilespmem:$0x1D000] =	vst v63  }
0x56: {  	_ =	swait.ge [sflag:s15], $0x4000  }
0x57: {  	s23 =	smov.u32 s26;
	s22 =	sshra.s32 s25, $0x2;
	[sflag:s15] =	ssyncset.done $0x0  }
0x58: {  	s23 =	sadd.s32 $0x14000, s22;
	[sflag:s15] =	ssyncadd.s32 $0xFFFFC000  }
0x59: {  	[tilespmem:s14], [sflag:$0x1] =	stream.indirect.gather [hbm4b:s2+s18], $0x80, s23, s18, $0xb8;
	[tilespmem:$0x1D000] =	vst v63  }
0x5a: {  	s28 =	sadd.s32 $0x14040, s22  }
0x5b: {  	[tilespmem:s19], [sflag:$0x1] =	stream.indirect.gather [hbm4b:s2+s18], $0x80, s28, s18, $0xb8;
	[tilespmem:$0x1D000] =	vst v63  }
0x5c: {  	_ =	swait.ge [sflag:s20], $0x2000  }
0x5d: {  	[sflag:s20] =	ssyncset.done $0x0  }
0x5e: {  	[sflag:s20] =	ssyncadd.s32 $0xFFFFE000  }
0x5f: {  	_ =	swait.ge [sflag:s20], $0x2000  }
0x60: {  	[sflag:s20] =	ssyncset.done $0x0  }
0x61: {  	s29 =	sadd.s32 $0x16800, s22;
	[sflag:s20] =	ssyncadd.s32 $0xFFFFE000  }
0x62: {  	[spmem:s3] =	stream.indirect.scatter.add.f32 [tilespmem:s14], [sflag:$0x2], $0x80, s29, s21, $0xb8;
	[tilespmem:$0x1D000] =	vst v63  }
0x63: {  	_ =	swait.ge [sflag:s15], $0x4000  }
0x64: {  	s30 =	sshll.u32 s0, $0x6;
	s4 =	sadd.s32 $0x1, s4;
	[sflag:s15] =	ssyncset.done $0x0  }
0x65: {  	s31 =	sshrl.u32 s5, $0x3;
	p0 =	sne.s32 s4, s13;
	[sflag:s15] =	ssyncadd.s32 $0xFFFFC000  }
.Ltmp2:
0x66: {  	s22 =	sor.u32 $0x1C02, s30;
	[bflag:$0x0] =	sbarrier.arrive $0xFFFF;
	(pc) =	sbr.rel @p0 .LBB2_1-.Ltmp2, $4  }
0x67: {  	[hbm:s12], [sflag:s22] =	dma.local [spmem:s31], $0x2800  }
0x68: {  	_ =	swait.ge [sflag:s15], $0x2800  }
0x69: {  	[sflag:s15] =	ssyncset.done $0x0  }
0x6a: {  	[sflag:s15] =	ssyncadd.s32 $0xFFFFD800  }
0x6b: {  	_ =	sfence.sel $0x180000  }
0x6c: {  	[bflag:$0x0] =	sbarrier.arrive $0xFFFF  }
0x6d: {  	p0 =	sne.s32 s0, $0x0;
	_ =	strace $0x9000004A  }
0x6e: {  	s0 =	sadd.s32 @!p0 $0x100000, s1;
	[bflag:$0x2] =	sbarrier.arrive $0xFFFF  }
0x6f: {  	[sflag:s0] =	ssyncadd.tile.s32 @!p0 $0x1;
	_ =	shalt  }
.Lfunc_end2:
_tile_overlayer_lowered:
.L_overlay_start_2:
0x70: {  	(tag) =	ssettag $0x2  }
0x71: {  	s0 =	rddreg [dreg:$0x0];
	s2 =	stileid.u32  }
0x72: {  	s1 =	rddreg [dreg:$0x1];
	p0 =	sne.s32 s2, $0x0  }
0x73: {  	s3 =	rddreg [dreg:$0x2];
	[bflag:$0x3] =	sbarrier.arrive $0xFFFF;
	s2 =	simm.s32 @!p0 $0x1C02  }
0x74: {  	[timem:s3], [sflag:s2] =	dma.local @!p0 [hbm:s0], s1  }
0x75: {  	s0 =	simm.s32 @!p0 $0x2  }
0x76: {  	_ =	swait.ge @!p0 [sflag:s0], s1  }
0x77: {  	s1 =	ssub.s32 @!p0 $0x0, s1;
	[sflag:s0] =	ssyncset.done @!p0 $0x0  }
0x78: {  	[sflag:s0] =	ssyncadd.s32 @!p0 s1  }
0x79: {  	[bflag:$0x3] =	sbarrier.arrive $0xFFFF  }
0x7a: {  	_ =	shalt  }

</sc_bundles>
